<compile_context>
chip_gen: v7x
topology: tpu7x:2x2x1
jax: 0.10.2.dev20260603
libtpu: 0.0.44.dev20260713+nightly
codegen_flags: <defaults>
</compile_context>

<pallas_src>
import functools

import jax
import jax.numpy as jnp
from jax import lax
from jax.experimental import pallas as pl
from jax.experimental.pallas import tpu as pltpu
from jax.experimental.pallas import tpu_sc as plsc

_LANES = 16
_BLK = 128

_DNUMS = lax.GatherDimensionNumbers(
    offset_dims=(), collapsed_slice_dims=(0,), start_index_map=(0,))


def _lane_splat(vec, idx):
    return lax.gather(vec, idx[:, None], _DNUMS, slice_sizes=(1,),
                      mode=lax.GatherScatterMode.PROMISE_IN_BOUNDS)


def _gather_body(n, n_j, d, x_hbm, idx_hbm, out_hbm, idx_v, blk_v, col_v):
    cid = lax.axis_index("c")
    sid = lax.axis_index("s")
    lane = lax.iota(jnp.int32, _LANES)

    @pl.when(jnp.logical_and(cid == 0, sid < n))
    def _():
        pltpu.sync_copy(idx_hbm, idx_v)
        vals = idx_v[...]
        hk = vals[0]
        wk = vals[n]
        for k in range(1, n):
            hk = jnp.where(sid == k, vals[k], hk)
        for j in range(1, n_j):
            wk = jnp.where(sid % n_j == j, vals[n + j], wk)
        ht = pl.multiple_of((hk // _BLK) * _BLK, _BLK)
        l = hk - ht
        pltpu.sync_copy(x_hbm.at[wk, :, pl.ds(ht, _BLK)], blk_v)
        b16 = pl.multiple_of((l // _LANES) * _LANES, _LANES)
        lvec = jnp.broadcast_to(l - b16, (_LANES,)).astype(jnp.int32)
        for g in range(d // _LANES):
            acc = jnp.zeros((_LANES,), jnp.float32)
            for c16 in range(_LANES):
                v16 = blk_v[g * _LANES + c16, pl.ds(b16, _LANES)]
                acc = jnp.where(lane == c16, _lane_splat(v16, lvec), acc)
            col_v[0, pl.ds(g * _LANES, _LANES)] = acc
        pltpu.sync_copy(col_v, out_hbm.at[sid])


def kernel(x, index1, index2):
    h, w, d = x.shape
    n_i, n_j = index1.shape
    n = n_i * n_j
    idx = jnp.concatenate([index1.reshape(-1).astype(jnp.int32),
                           index2.astype(jnp.int32)])
    idx = jnp.pad(idx, (0, _LANES - n - n_j))

    mesh = plsc.VectorSubcoreMesh(core_axis_name="c", subcore_axis_name="s")
    run = pl.kernel(
        functools.partial(_gather_body, n, n_j, d),
        out_type=jax.ShapeDtypeStruct((_LANES, 8, d), jnp.float32),
        mesh=mesh,
        scratch_types=[
            pltpu.VMEM((_LANES,), jnp.int32),
            pltpu.VMEM((d, _BLK), jnp.float32),
            pltpu.VMEM((8, d), jnp.float32),
        ],
    )
    out16 = run(jnp.transpose(x, (1, 2, 0)), idx)
    return out16[:n, 0, :].reshape(n_i, n_j, d)

# --- scband reference (transcript-rebuilt; emitter-appended) ---
"""Pipeline reference for scband-index-tensor-multi-input-86492051407088 (READ-ONLY COPY).

The authoritative reference and input builder live on the scoring server;
editing this copy changes nothing except your own understanding.
"""

import jax, jax.numpy as jnp
import numpy as np


def setup_inputs(seed: int = 0) -> dict:
    key = jax.random.key(seed)
    k1, k2, k3 = jax.random.split(key, 3)
    x = jax.random.normal(k1, (100000, 50, 64), dtype=jnp.float32)
    index1 = jax.random.randint(k2, (3, 3), 0, 100000)
    index2 = jax.random.randint(k3, (3,), 0, 50)
    return {"x": x, "index1": index1, "index2": index2}


def reference(x, index1, index2):
    # torch.ops.aten.index(x, (index1, index2)) == advanced indexing x[index1, index2]
    # index1 [3,3] and index2 [3] broadcast together -> output [3, 3, x.shape[2]]
    return x[index1, index2]

if __name__ == "__main__":
    import jax
    _d = setup_inputs()
    print(jax.jit(kernel)(*tuple(_d.values())))

</pallas_src>

<mosaic_0001>
#map = affine_map<(d0, d1) -> (0, 0, 0)>
#map1 = affine_map<(d0, d1) -> (0)>
module attributes {stable_mosaic.version = 14 : i64} {
  func.func @_gather_body(%arg0: i32, %arg1: i32, %arg2: memref<50x64x100000xf32, #tpu.memory_space<hbm>>, %arg3: memref<16xi32, #tpu.memory_space<hbm>>, %arg4: memref<16x8x64xf32, #tpu.memory_space<hbm>>, %arg5: memref<16xi32, #tpu.memory_space<vmem>>, %arg6: memref<64x128xf32, #tpu.memory_space<vmem>>, %arg7: memref<8x64xf32, #tpu.memory_space<vmem>>) attributes {dimension_semantics = [#tpu.dimension_semantics<core_parallel>, #tpu.dimension_semantics<subcore_parallel>], iteration_bounds = array<i64: 2, 16>, scalar_prefetch = 0 : i64, scratch_operands = 3 : i64, tpu.core_type = #tpu.core_type<sc_vector_subcore>, window_params = [{transform_indices = #map}, {transform_indices = #map1}, {transform_indices = #map}]} {
    %iota3A = tpu.iota {dimensions = array<i32: 0>} : vector<16xi32>
    %eq3A = arith.constant 0 : i32
    %eq3A_0 = arith.cmpi eq, %arg0, %eq3A : i32
    %lt3A = arith.constant 9 : i32
    %lt3A_1 = arith.cmpi slt, %arg1, %lt3A : i32
    %and3A = arith.andi %eq3A_0, %lt3A_1 : i1
    %convert_element_type3A = arith.extui %and3A : i1 to i32
    %cond3A = arith.constant 0 : i32
    %cond3A_2 = arith.cmpi ne, %convert_element_type3A, %cond3A : i32
    scf.if %cond3A_2 {
      "tpu.region"() ({
        %run_scoped3A = tpu.sem_alloc : memref<!tpu.dma_semaphore, #tpu.memory_space<semaphore_mem>>
        tpu.enqueue_dma source(%arg3 : memref<16xi32, #tpu.memory_space<hbm>>) target(%arg5 : memref<16xi32, #tpu.memory_space<vmem>>) target_semaphore(%run_scoped3A : memref<!tpu.dma_semaphore, #tpu.memory_space<semaphore_mem>>)
        tpu.wait_dma2 semaphore(%run_scoped3A : memref<!tpu.dma_semaphore, #tpu.memory_space<semaphore_mem>>) src(%arg3 : memref<16xi32, #tpu.memory_space<hbm>>) dst(%arg5 : memref<16xi32, #tpu.memory_space<vmem>>)
        tpu.yield
      }) : () -> ()
      %get3A = arith.constant 0 : index
      %get3A_3 = tpu.vector_load %arg5[%get3A] {strides = array<i32>} : memref<16xi32, #tpu.memory_space<vmem>>, vector<16xi32>,
      %get3A_4 = vector.shape_cast %get3A_3 : vector<16xi32> to vector<16xi32>
      %slice3A = vector.extract_strided_slice %get3A_4 {offsets = [0], sizes = [1], strides = [1]} : vector<16xi32> to vector<1xi32>
      %squeeze3A = vector.extract %slice3A[0] : i32 from vector<1xi32>
      %slice3A_5 = vector.extract_strided_slice %get3A_4 {offsets = [9], sizes = [1], strides = [1]} : vector<16xi32> to vector<1xi32>
      %squeeze3A_6 = vector.extract %slice3A_5[0] : i32 from vector<1xi32>
      %eq3A_7 = arith.constant 1 : i32
      %eq3A_8 = arith.cmpi eq, %arg1, %eq3A_7 : i32
      %slice3A_9 = vector.extract_strided_slice %get3A_4 {offsets = [1], sizes = [1], strides = [1]} : vector<16xi32> to vector<1xi32>
      %squeeze3A_10 = vector.extract %slice3A_9[0] : i32 from vector<1xi32>
      %select_n3A = arith.select %eq3A_8, %squeeze3A_10, %squeeze3A : i32
      %eq3A_11 = arith.constant 2 : i32
      %eq3A_12 = arith.cmpi eq, %arg1, %eq3A_11 : i32
      %slice3A_13 = vector.extract_strided_slice %get3A_4 {offsets = [2], sizes = [1], strides = [1]} : vector<16xi32> to vector<1xi32>
      %squeeze3A_14 = vector.extract %slice3A_13[0] : i32 from vector<1xi32>
      %select_n3A_15 = arith.select %eq3A_12, %squeeze3A_14, %select_n3A : i32
      %eq3A_16 = arith.constant 3 : i32
      %eq3A_17 = arith.cmpi eq, %arg1, %eq3A_16 : i32
      %slice3A_18 = vector.extract_strided_slice %get3A_4 {offsets = [3], sizes = [1], strides = [1]} : vector<16xi32> to vector<1xi32>
      %squeeze3A_19 = vector.extract %slice3A_18[0] : i32 from vector<1xi32>
      %select_n3A_20 = arith.select %eq3A_17, %squeeze3A_19, %select_n3A_15 : i32
      %eq3A_21 = arith.constant 4 : i32
      %eq3A_22 = arith.cmpi eq, %arg1, %eq3A_21 : i32
      %slice3A_23 = vector.extract_strided_slice %get3A_4 {offsets = [4], sizes = [1], strides = [1]} : vector<16xi32> to vector<1xi32>
      %squeeze3A_24 = vector.extract %slice3A_23[0] : i32 from vector<1xi32>
      %select_n3A_25 = arith.select %eq3A_22, %squeeze3A_24, %select_n3A_20 : i32
      %eq3A_26 = arith.constant 5 : i32
      %eq3A_27 = arith.cmpi eq, %arg1, %eq3A_26 : i32
      %slice3A_28 = vector.extract_strided_slice %get3A_4 {offsets = [5], sizes = [1], strides = [1]} : vector<16xi32> to vector<1xi32>
      %squeeze3A_29 = vector.extract %slice3A_28[0] : i32 from vector<1xi32>
      %select_n3A_30 = arith.select %eq3A_27, %squeeze3A_29, %select_n3A_25 : i32
      %eq3A_31 = arith.constant 6 : i32
      %eq3A_32 = arith.cmpi eq, %arg1, %eq3A_31 : i32
      %slice3A_33 = vector.extract_strided_slice %get3A_4 {offsets = [6], sizes = [1], strides = [1]} : vector<16xi32> to vector<1xi32>
      %squeeze3A_34 = vector.extract %slice3A_33[0] : i32 from vector<1xi32>
      %select_n3A_35 = arith.select %eq3A_32, %squeeze3A_34, %select_n3A_30 : i32
      %eq3A_36 = arith.constant 7 : i32
      %eq3A_37 = arith.cmpi eq, %arg1, %eq3A_36 : i32
      %slice3A_38 = vector.extract_strided_slice %get3A_4 {offsets = [7], sizes = [1], strides = [1]} : vector<16xi32> to vector<1xi32>
      %squeeze3A_39 = vector.extract %slice3A_38[0] : i32 from vector<1xi32>
      %select_n3A_40 = arith.select %eq3A_37, %squeeze3A_39, %select_n3A_35 : i32
      %eq3A_41 = arith.constant 8 : i32
      %eq3A_42 = arith.cmpi eq, %arg1, %eq3A_41 : i32
      %slice3A_43 = vector.extract_strided_slice %get3A_4 {offsets = [8], sizes = [1], strides = [1]} : vector<16xi32> to vector<1xi32>
      %squeeze3A_44 = vector.extract %slice3A_43[0] : i32 from vector<1xi32>
      %select_n3A_45 = arith.select %eq3A_42, %squeeze3A_44, %select_n3A_40 : i32
      %jit3A = arith.constant 3 : i32
      %eq3A_46 = arith.constant 0 : i32
      %eq3A_47 = arith.cmpi eq, %jit3A, %eq3A_46 : i32
      %jit3A_48 = arith.constant 1 : i32
      %select_n3A_49 = arith.select %eq3A_47, %jit3A_48, %jit3A : i32
      %rem3A = arith.remsi %arg1, %select_n3A_49 : i32
      %ne3A = arith.constant 0 : i32
      %ne3A_50 = arith.cmpi ne, %rem3A, %ne3A : i32
      %lt3A_51 = arith.constant 0 : i32
      %lt3A_52 = arith.cmpi slt, %rem3A, %lt3A_51 : i32
      %lt3A_53 = arith.constant 0 : i32
      %lt3A_54 = arith.cmpi slt, %select_n3A_49, %lt3A_53 : i32
      %ne3A_55 = arith.xori %lt3A_52, %lt3A_54 : i1
      %and3A_56 = arith.andi %ne3A_55, %ne3A_50 : i1
      %add3A = arith.addi %rem3A, %select_n3A_49 : i32
      %select_n3A_57 = arith.select %and3A_56, %add3A, %rem3A : i32
      %eq3A_58 = arith.constant 1 : i32
      %eq3A_59 = arith.cmpi eq, %select_n3A_57, %eq3A_58 : i32
      %slice3A_60 = vector.extract_strided_slice %get3A_4 {offsets = [10], sizes = [1], strides = [1]} : vector<16xi32> to vector<1xi32>
      %squeeze3A_61 = vector.extract %slice3A_60[0] : i32 from vector<1xi32>
      %select_n3A_62 = arith.select %eq3A_59, %squeeze3A_61, %squeeze3A_6 : i32
      %jit3A_63 = arith.constant 3 : i32
      %eq3A_64 = arith.constant 0 : i32
      %eq3A_65 = arith.cmpi eq, %jit3A_63, %eq3A_64 : i32
      %jit3A_66 = arith.constant 1 : i32
      %select_n3A_67 = arith.select %eq3A_65, %jit3A_66, %jit3A_63 : i32
      %rem3A_68 = arith.remsi %arg1, %select_n3A_67 : i32
      %ne3A_69 = arith.constant 0 : i32
      %ne3A_70 = arith.cmpi ne, %rem3A_68, %ne3A_69 : i32
      %lt3A_71 = arith.constant 0 : i32
      %lt3A_72 = arith.cmpi slt, %rem3A_68, %lt3A_71 : i32
      %lt3A_73 = arith.constant 0 : i32
      %lt3A_74 = arith.cmpi slt, %select_n3A_67, %lt3A_73 : i32
      %ne3A_75 = arith.xori %lt3A_72, %lt3A_74 : i1
      %and3A_76 = arith.andi %ne3A_75, %ne3A_70 : i1
      %add3A_77 = arith.addi %rem3A_68, %select_n3A_67 : i32
      %select_n3A_78 = arith.select %and3A_76, %add3A_77, %rem3A_68 : i32
      %eq3A_79 = arith.constant 2 : i32
      %eq3A_80 = arith.cmpi eq, %select_n3A_78, %eq3A_79 : i32
      %slice3A_81 = vector.extract_strided_slice %get3A_4 {offsets = [11], sizes = [1], strides = [1]} : vector<16xi32> to vector<1xi32>
      %squeeze3A_82 = vector.extract %slice3A_81[0] : i32 from vector<1xi32>
      %select_n3A_83 = arith.select %eq3A_80, %squeeze3A_82, %select_n3A_62 : i32
      %jit3A_84 = arith.constant 128 : i32
      %div3A = arith.divsi %select_n3A_45, %jit3A_84 : i32
      %sign3A = arith.constant 0 : i32
      %sign3A_85 = arith.cmpi sgt, %select_n3A_45, %sign3A : i32
      %sign3A_86 = arith.extui %sign3A_85 : i1 to i32
      %sign3A_87 = arith.constant 0 : i32
      %sign3A_88 = arith.cmpi slt, %select_n3A_45, %sign3A_87 : i32
      %sign3A_89 = arith.extui %sign3A_88 : i1 to i32
      %sign3A_90 = arith.subi %sign3A_86, %sign3A_89 : i32
      %sign3A_91 = arith.constant 0 : i32
      %sign3A_92 = arith.cmpi sgt, %jit3A_84, %sign3A_91 : i32
      %sign3A_93 = arith.extui %sign3A_92 : i1 to i32
      %sign3A_94 = arith.constant 0 : i32
      %sign3A_95 = arith.cmpi slt, %jit3A_84, %sign3A_94 : i32
      %sign3A_96 = arith.extui %sign3A_95 : i1 to i32
      %sign3A_97 = arith.subi %sign3A_93, %sign3A_96 : i32
      %ne3A_98 = arith.cmpi ne, %sign3A_90, %sign3A_97 : i32
      %rem3A_99 = arith.remsi %select_n3A_45, %jit3A_84 : i32
      %ne3A_100 = arith.constant 0 : i32
      %ne3A_101 = arith.cmpi ne, %rem3A_99, %ne3A_100 : i32
      %and3A_102 = arith.andi %ne3A_98, %ne3A_101 : i1
      %sub3A = arith.constant 1 : i32
      %sub3A_103 = arith.subi %div3A, %sub3A : i32
      %select_n3A_104 = arith.select %and3A_102, %sub3A_103, %div3A : i32
      %mul3A = arith.constant 128 : i32
      %mul3A_105 = arith.muli %select_n3A_104, %mul3A : i32
      %multiple_of3A = tpu.assume_multiple %mul3A_105, 128 : i32
      %sub3A_106 = arith.subi %select_n3A_45, %multiple_of3A : i32
      "tpu.region"() ({
        %run_scoped3A = tpu.sem_alloc : memref<!tpu.dma_semaphore, #tpu.memory_space<semaphore_mem>>
        %dma_start3A = arith.constant 0 : i32
        %dma_start3A_933 = tpu.memref_slice %arg2[%select_n3A_83, %dma_start3A, %multiple_of3A] : memref<50x64x100000xf32, #tpu.memory_space<hbm>> -> memref<1x64x128xf32, #tpu.memory_space<hbm>>
        %dma_start3A_934 = tpu.memref_squeeze %dma_start3A_933 : memref<1x64x128xf32, #tpu.memory_space<hbm>> -> memref<64x128xf32, #tpu.memory_space<hbm>>
        %dma_start3A_935 = arith.constant 0 : i32
        %dma_start3A_936 = tpu.memref_slice %arg2[%select_n3A_83, %dma_start3A_935, %multiple_of3A] : memref<50x64x100000xf32, #tpu.memory_space<hbm>> -> memref<1x64x128xf32, #tpu.memory_space<hbm>>
        %dma_start3A_937 = tpu.memref_squeeze %dma_start3A_936 : memref<1x64x128xf32, #tpu.memory_space<hbm>> -> memref<64x128xf32, #tpu.memory_space<hbm>>
        tpu.enqueue_dma source(%dma_start3A_937 : memref<64x128xf32, #tpu.memory_space<hbm>>) target(%arg6 : memref<64x128xf32, #tpu.memory_space<vmem>>) target_semaphore(%run_scoped3A : memref<!tpu.dma_semaphore, #tpu.memory_space<semaphore_mem>>)
        %dma_wait3A = arith.constant 0 : i32
        %dma_wait3A_938 = tpu.memref_slice %arg2[%select_n3A_83, %dma_wait3A, %multiple_of3A] : memref<50x64x100000xf32, #tpu.memory_space<hbm>> -> memref<1x64x128xf32, #tpu.memory_space<hbm>>
        %dma_wait3A_939 = tpu.memref_squeeze %dma_wait3A_938 : memref<1x64x128xf32, #tpu.memory_space<hbm>> -> memref<64x128xf32, #tpu.memory_space<hbm>>
        %dma_wait3A_940 = arith.constant 0 : i32
        %dma_wait3A_941 = tpu.memref_slice %arg2[%select_n3A_83, %dma_wait3A_940, %multiple_of3A] : memref<50x64x100000xf32, #tpu.memory_space<hbm>> -> memref<1x64x128xf32, #tpu.memory_space<hbm>>
        %dma_wait3A_942 = tpu.memref_squeeze %dma_wait3A_941 : memref<1x64x128xf32, #tpu.memory_space<hbm>> -> memref<64x128xf32, #tpu.memory_space<hbm>>
        tpu.wait_dma2 semaphore(%run_scoped3A : memref<!tpu.dma_semaphore, #tpu.memory_space<semaphore_mem>>) src(%dma_wait3A_942 : memref<64x128xf32, #tpu.memory_space<hbm>>) dst(%arg6 : memref<64x128xf32, #tpu.memory_space<vmem>>)
        tpu.yield
      }) : () -> ()
      %jit3A_107 = arith.constant 16 : i32
      %div3A_108 = arith.divsi %sub3A_106, %jit3A_107 : i32
      %sign3A_109 = arith.constant 0 : i32
      %sign3A_110 = arith.cmpi sgt, %sub3A_106, %sign3A_109 : i32
      %sign3A_111 = arith.extui %sign3A_110 : i1 to i32
      %sign3A_112 = arith.constant 0 : i32
      %sign3A_113 = arith.cmpi slt, %sub3A_106, %sign3A_112 : i32
      %sign3A_114 = arith.extui %sign3A_113 : i1 to i32
      %sign3A_115 = arith.subi %sign3A_111, %sign3A_114 : i32
      %sign3A_116 = arith.constant 0 : i32
      %sign3A_117 = arith.cmpi sgt, %jit3A_107, %sign3A_116 : i32
      %sign3A_118 = arith.extui %sign3A_117 : i1 to i32
      %sign3A_119 = arith.constant 0 : i32
      %sign3A_120 = arith.cmpi slt, %jit3A_107, %sign3A_119 : i32
      %sign3A_121 = arith.extui %sign3A_120 : i1 to i32
      %sign3A_122 = arith.subi %sign3A_118, %sign3A_121 : i32
      %ne3A_123 = arith.cmpi ne, %sign3A_115, %sign3A_122 : i32
      %rem3A_124 = arith.remsi %sub3A_106, %jit3A_107 : i32
      %ne3A_125 = arith.constant 0 : i32
      %ne3A_126 = arith.cmpi ne, %rem3A_124, %ne3A_125 : i32
      %and3A_127 = arith.andi %ne3A_123, %ne3A_126 : i1
      %sub3A_128 = arith.constant 1 : i32
      %sub3A_129 = arith.subi %div3A_108, %sub3A_128 : i32
      %select_n3A_130 = arith.select %and3A_127, %sub3A_129, %div3A_108 : i32
      %mul3A_131 = arith.constant 16 : i32
      %mul3A_132 = arith.muli %select_n3A_130, %mul3A_131 : i32
      %multiple_of3A_133 = tpu.assume_multiple %mul3A_132, 16 : i32
      %sub3A_134 = arith.subi %sub3A_106, %multiple_of3A_133 : i32
      %broadcast_in_dim3A = vector.broadcast %sub3A_134 : i32 to vector<16xi32>
      %broadcast_in_dim3A_135 = arith.constant 0.000000e+00 : f32
      %broadcast_in_dim3A_136 = vector.broadcast %broadcast_in_dim3A_135 : f32 to vector<16xf32>
      %get3A_137 = arith.constant 0 : i32
      %get3A_138 = arith.index_cast %get3A_137 : i32 to index
      %get3A_139 = arith.index_cast %multiple_of3A_133 : i32 to index
      %get3A_140 = tpu.vector_load %arg6[%get3A_138, %get3A_139] {strides = array<i32>} : memref<64x128xf32, #tpu.memory_space<vmem>>, vector<1x16xf32>,
      %get3A_141 = vector.shape_cast %get3A_140 : vector<1x16xf32> to vector<16xf32>
      %eq3A_142 = arith.constant 0 : i32
      %eq3A_143 = vector.broadcast %eq3A_142 : i32 to vector<16xi32>
      %eq3A_144 = arith.cmpi eq, %iota3A, %eq3A_143 : vector<16xi32>
      %broadcast_in_dim3A_145 = vector.shape_cast %broadcast_in_dim3A : vector<16xi32> to vector<16x1xi32>
      %gather3A = vector.shape_cast %broadcast_in_dim3A_145 : vector<16x1xi32> to vector<16xi32>
      %gather3A_146 = tpu.dynamic_gather %get3A_141[%gather3A] in [0] : vector<16xf32>, vector<16xi32> -> vector<16xf32>
      %select_n3A_147 = arith.select %eq3A_144, %gather3A_146, %broadcast_in_dim3A_136 : vector<16xi1>, vector<16xf32>
      %get3A_148 = arith.constant 1 : i32
      %get3A_149 = arith.index_cast %get3A_148 : i32 to index
      %get3A_150 = arith.index_cast %multiple_of3A_133 : i32 to index
      %get3A_151 = tpu.vector_load %arg6[%get3A_149, %get3A_150] {strides = array<i32>} : memref<64x128xf32, #tpu.memory_space<vmem>>, vector<1x16xf32>,
      %get3A_152 = vector.shape_cast %get3A_151 : vector<1x16xf32> to vector<16xf32>
      %eq3A_153 = arith.constant 1 : i32
      %eq3A_154 = vector.broadcast %eq3A_153 : i32 to vector<16xi32>
      %eq3A_155 = arith.cmpi eq, %iota3A, %eq3A_154 : vector<16xi32>
      %broadcast_in_dim3A_156 = vector.shape_cast %broadcast_in_dim3A : vector<16xi32> to vector<16x1xi32>
      %gather3A_157 = vector.shape_cast %broadcast_in_dim3A_156 : vector<16x1xi32> to vector<16xi32>
      %gather3A_158 = tpu.dynamic_gather %get3A_152[%gather3A_157] in [0] : vector<16xf32>, vector<16xi32> -> vector<16xf32>
      %select_n3A_159 = arith.select %eq3A_155, %gather3A_158, %select_n3A_147 : vector<16xi1>, vector<16xf32>
      %get3A_160 = arith.constant 2 : i32
      %get3A_161 = arith.index_cast %get3A_160 : i32 to index
      %get3A_162 = arith.index_cast %multiple_of3A_133 : i32 to index
      %get3A_163 = tpu.vector_load %arg6[%get3A_161, %get3A_162] {strides = array<i32>} : memref<64x128xf32, #tpu.memory_space<vmem>>, vector<1x16xf32>,
      %get3A_164 = vector.shape_cast %get3A_163 : vector<1x16xf32> to vector<16xf32>
      %eq3A_165 = arith.constant 2 : i32
      %eq3A_166 = vector.broadcast %eq3A_165 : i32 to vector<16xi32>
      %eq3A_167 = arith.cmpi eq, %iota3A, %eq3A_166 : vector<16xi32>
      %broadcast_in_dim3A_168 = vector.shape_cast %broadcast_in_dim3A : vector<16xi32> to vector<16x1xi32>
      %gather3A_169 = vector.shape_cast %broadcast_in_dim3A_168 : vector<16x1xi32> to vector<16xi32>
      %gather3A_170 = tpu.dynamic_gather %get3A_164[%gather3A_169] in [0] : vector<16xf32>, vector<16xi32> -> vector<16xf32>
      %select_n3A_171 = arith.select %eq3A_167, %gather3A_170, %select_n3A_159 : vector<16xi1>, vector<16xf32>
      %get3A_172 = arith.constant 3 : i32
      %get3A_173 = arith.index_cast %get3A_172 : i32 to index
      %get3A_174 = arith.index_cast %multiple_of3A_133 : i32 to index
      %get3A_175 = tpu.vector_load %arg6[%get3A_173, %get3A_174] {strides = array<i32>} : memref<64x128xf32, #tpu.memory_space<vmem>>, vector<1x16xf32>,
      %get3A_176 = vector.shape_cast %get3A_175 : vector<1x16xf32> to vector<16xf32>
      %eq3A_177 = arith.constant 3 : i32
      %eq3A_178 = vector.broadcast %eq3A_177 : i32 to vector<16xi32>
      %eq3A_179 = arith.cmpi eq, %iota3A, %eq3A_178 : vector<16xi32>
      %broadcast_in_dim3A_180 = vector.shape_cast %broadcast_in_dim3A : vector<16xi32> to vector<16x1xi32>
      %gather3A_181 = vector.shape_cast %broadcast_in_dim3A_180 : vector<16x1xi32> to vector<16xi32>
      %gather3A_182 = tpu.dynamic_gather %get3A_176[%gather3A_181] in [0] : vector<16xf32>, vector<16xi32> -> vector<16xf32>
      %select_n3A_183 = arith.select %eq3A_179, %gather3A_182, %select_n3A_171 : vector<16xi1>, vector<16xf32>
      %get3A_184 = arith.constant 4 : i32
      %get3A_185 = arith.index_cast %get3A_184 : i32 to index
      %get3A_186 = arith.index_cast %multiple_of3A_133 : i32 to index
      %get3A_187 = tpu.vector_load %arg6[%get3A_185, %get3A_186] {strides = array<i32>} : memref<64x128xf32, #tpu.memory_space<vmem>>, vector<1x16xf32>,
      %get3A_188 = vector.shape_cast %get3A_187 : vector<1x16xf32> to vector<16xf32>
      %eq3A_189 = arith.constant 4 : i32
      %eq3A_190 = vector.broadcast %eq3A_189 : i32 to vector<16xi32>
      %eq3A_191 = arith.cmpi eq, %iota3A, %eq3A_190 : vector<16xi32>
      %broadcast_in_dim3A_192 = vector.shape_cast %broadcast_in_dim3A : vector<16xi32> to vector<16x1xi32>
      %gather3A_193 = vector.shape_cast %broadcast_in_dim3A_192 : vector<16x1xi32> to vector<16xi32>
      %gather3A_194 = tpu.dynamic_gather %get3A_188[%gather3A_193] in [0] : vector<16xf32>, vector<16xi32> -> vector<16xf32>
      %select_n3A_195 = arith.select %eq3A_191, %gather3A_194, %select_n3A_183 : vector<16xi1>, vector<16xf32>
      %get3A_196 = arith.constant 5 : i32
      %get3A_197 = arith.index_cast %get3A_196 : i32 to index
      %get3A_198 = arith.index_cast %multiple_of3A_133 : i32 to index
      %get3A_199 = tpu.vector_load %arg6[%get3A_197, %get3A_198] {strides = array<i32>} : memref<64x128xf32, #tpu.memory_space<vmem>>, vector<1x16xf32>,
      %get3A_200 = vector.shape_cast %get3A_199 : vector<1x16xf32> to vector<16xf32>
      %eq3A_201 = arith.constant 5 : i32
      %eq3A_202 = vector.broadcast %eq3A_201 : i32 to vector<16xi32>
      %eq3A_203 = arith.cmpi eq, %iota3A, %eq3A_202 : vector<16xi32>
      %broadcast_in_dim3A_204 = vector.shape_cast %broadcast_in_dim3A : vector<16xi32> to vector<16x1xi32>
      %gather3A_205 = vector.shape_cast %broadcast_in_dim3A_204 : vector<16x1xi32> to vector<16xi32>
      %gather3A_206 = tpu.dynamic_gather %get3A_200[%gather3A_205] in [0] : vector<16xf32>, vector<16xi32> -> vector<16xf32>
      %select_n3A_207 = arith.select %eq3A_203, %gather3A_206, %select_n3A_195 : vector<16xi1>, vector<16xf32>
      %get3A_208 = arith.constant 6 : i32
      %get3A_209 = arith.index_cast %get3A_208 : i32 to index
      %get3A_210 = arith.index_cast %multiple_of3A_133 : i32 to index
      %get3A_211 = tpu.vector_load %arg6[%get3A_209, %get3A_210] {strides = array<i32>} : memref<64x128xf32, #tpu.memory_space<vmem>>, vector<1x16xf32>,
      %get3A_212 = vector.shape_cast %get3A_211 : vector<1x16xf32> to vector<16xf32>
      %eq3A_213 = arith.constant 6 : i32
      %eq3A_214 = vector.broadcast %eq3A_213 : i32 to vector<16xi32>
      %eq3A_215 = arith.cmpi eq, %iota3A, %eq3A_214 : vector<16xi32>
      %broadcast_in_dim3A_216 = vector.shape_cast %broadcast_in_dim3A : vector<16xi32> to vector<16x1xi32>
      %gather3A_217 = vector.shape_cast %broadcast_in_dim3A_216 : vector<16x1xi32> to vector<16xi32>
      %gather3A_218 = tpu.dynamic_gather %get3A_212[%gather3A_217] in [0] : vector<16xf32>, vector<16xi32> -> vector<16xf32>
      %select_n3A_219 = arith.select %eq3A_215, %gather3A_218, %select_n3A_207 : vector<16xi1>, vector<16xf32>
      %get3A_220 = arith.constant 7 : i32
      %get3A_221 = arith.index_cast %get3A_220 : i32 to index
      %get3A_222 = arith.index_cast %multiple_of3A_133 : i32 to index
      %get3A_223 = tpu.vector_load %arg6[%get3A_221, %get3A_222] {strides = array<i32>} : memref<64x128xf32, #tpu.memory_space<vmem>>, vector<1x16xf32>,
      %get3A_224 = vector.shape_cast %get3A_223 : vector<1x16xf32> to vector<16xf32>
      %eq3A_225 = arith.constant 7 : i32
      %eq3A_226 = vector.broadcast %eq3A_225 : i32 to vector<16xi32>
      %eq3A_227 = arith.cmpi eq, %iota3A, %eq3A_226 : vector<16xi32>
      %broadcast_in_dim3A_228 = vector.shape_cast %broadcast_in_dim3A : vector<16xi32> to vector<16x1xi32>
      %gather3A_229 = vector.shape_cast %broadcast_in_dim3A_228 : vector<16x1xi32> to vector<16xi32>
      %gather3A_230 = tpu.dynamic_gather %get3A_224[%gather3A_229] in [0] : vector<16xf32>, vector<16xi32> -> vector<16xf32>
      %select_n3A_231 = arith.select %eq3A_227, %gather3A_230, %select_n3A_219 : vector<16xi1>, vector<16xf32>
      %get3A_232 = arith.constant 8 : i32
      %get3A_233 = arith.index_cast %get3A_232 : i32 to index
      %get3A_234 = arith.index_cast %multiple_of3A_133 : i32 to index
      %get3A_235 = tpu.vector_load %arg6[%get3A_233, %get3A_234] {strides = array<i32>} : memref<64x128xf32, #tpu.memory_space<vmem>>, vector<1x16xf32>,
      %get3A_236 = vector.shape_cast %get3A_235 : vector<1x16xf32> to vector<16xf32>
      %eq3A_237 = arith.constant 8 : i32
      %eq3A_238 = vector.broadcast %eq3A_237 : i32 to vector<16xi32>
      %eq3A_239 = arith.cmpi eq, %iota3A, %eq3A_238 : vector<16xi32>
      %broadcast_in_dim3A_240 = vector.shape_cast %broadcast_in_dim3A : vector<16xi32> to vector<16x1xi32>
      %gather3A_241 = vector.shape_cast %broadcast_in_dim3A_240 : vector<16x1xi32> to vector<16xi32>
      %gather3A_242 = tpu.dynamic_gather %get3A_236[%gather3A_241] in [0] : vector<16xf32>, vector<16xi32> -> vector<16xf32>
      %select_n3A_243 = arith.select %eq3A_239, %gather3A_242, %select_n3A_231 : vector<16xi1>, vector<16xf32>
      %get3A_244 = arith.constant 9 : i32
      %get3A_245 = arith.index_cast %get3A_244 : i32 to index
      %get3A_246 = arith.index_cast %multiple_of3A_133 : i32 to index
      %get3A_247 = tpu.vector_load %arg6[%get3A_245, %get3A_246] {strides = array<i32>} : memref<64x128xf32, #tpu.memory_space<vmem>>, vector<1x16xf32>,
      %get3A_248 = vector.shape_cast %get3A_247 : vector<1x16xf32> to vector<16xf32>
      %eq3A_249 = arith.constant 9 : i32
      %eq3A_250 = vector.broadcast %eq3A_249 : i32 to vector<16xi32>
      %eq3A_251 = arith.cmpi eq, %iota3A, %eq3A_250 : vector<16xi32>
      %broadcast_in_dim3A_252 = vector.shape_cast %broadcast_in_dim3A : vector<16xi32> to vector<16x1xi32>
      %gather3A_253 = vector.shape_cast %broadcast_in_dim3A_252 : vector<16x1xi32> to vector<16xi32>
      %gather3A_254 = tpu.dynamic_gather %get3A_248[%gather3A_253] in [0] : vector<16xf32>, vector<16xi32> -> vector<16xf32>
      %select_n3A_255 = arith.select %eq3A_251, %gather3A_254, %select_n3A_243 : vector<16xi1>, vector<16xf32>
      %get3A_256 = arith.constant 10 : i32
      %get3A_257 = arith.index_cast %get3A_256 : i32 to index
      %get3A_258 = arith.index_cast %multiple_of3A_133 : i32 to index
      %get3A_259 = tpu.vector_load %arg6[%get3A_257, %get3A_258] {strides = array<i32>} : memref<64x128xf32, #tpu.memory_space<vmem>>, vector<1x16xf32>,
      %get3A_260 = vector.shape_cast %get3A_259 : vector<1x16xf32> to vector<16xf32>
      %eq3A_261 = arith.constant 10 : i32
      %eq3A_262 = vector.broadcast %eq3A_261 : i32 to vector<16xi32>
      %eq3A_263 = arith.cmpi eq, %iota3A, %eq3A_262 : vector<16xi32>
      %broadcast_in_dim3A_264 = vector.shape_cast %broadcast_in_dim3A : vector<16xi32> to vector<16x1xi32>
      %gather3A_265 = vector.shape_cast %broadcast_in_dim3A_264 : vector<16x1xi32> to vector<16xi32>
      %gather3A_266 = tpu.dynamic_gather %get3A_260[%gather3A_265] in [0] : vector<16xf32>, vector<16xi32> -> vector<16xf32>
      %select_n3A_267 = arith.select %eq3A_263, %gather3A_266, %select_n3A_255 : vector<16xi1>, vector<16xf32>
      %get3A_268 = arith.constant 11 : i32
      %get3A_269 = arith.index_cast %get3A_268 : i32 to index
      %get3A_270 = arith.index_cast %multiple_of3A_133 : i32 to index
      %get3A_271 = tpu.vector_load %arg6[%get3A_269, %get3A_270] {strides = array<i32>} : memref<64x128xf32, #tpu.memory_space<vmem>>, vector<1x16xf32>,
      %get3A_272 = vector.shape_cast %get3A_271 : vector<1x16xf32> to vector<16xf32>
      %eq3A_273 = arith.constant 11 : i32
      %eq3A_274 = vector.broadcast %eq3A_273 : i32 to vector<16xi32>
      %eq3A_275 = arith.cmpi eq, %iota3A, %eq3A_274 : vector<16xi32>
      %broadcast_in_dim3A_276 = vector.shape_cast %broadcast_in_dim3A : vector<16xi32> to vector<16x1xi32>
      %gather3A_277 = vector.shape_cast %broadcast_in_dim3A_276 : vector<16x1xi32> to vector<16xi32>
      %gather3A_278 = tpu.dynamic_gather %get3A_272[%gather3A_277] in [0] : vector<16xf32>, vector<16xi32> -> vector<16xf32>
      %select_n3A_279 = arith.select %eq3A_275, %gather3A_278, %select_n3A_267 : vector<16xi1>, vector<16xf32>
      %get3A_280 = arith.constant 12 : i32
      %get3A_281 = arith.index_cast %get3A_280 : i32 to index
      %get3A_282 = arith.index_cast %multiple_of3A_133 : i32 to index
      %get3A_283 = tpu.vector_load %arg6[%get3A_281, %get3A_282] {strides = array<i32>} : memref<64x128xf32, #tpu.memory_space<vmem>>, vector<1x16xf32>,
      %get3A_284 = vector.shape_cast %get3A_283 : vector<1x16xf32> to vector<16xf32>
      %eq3A_285 = arith.constant 12 : i32
      %eq3A_286 = vector.broadcast %eq3A_285 : i32 to vector<16xi32>
      %eq3A_287 = arith.cmpi eq, %iota3A, %eq3A_286 : vector<16xi32>
      %broadcast_in_dim3A_288 = vector.shape_cast %broadcast_in_dim3A : vector<16xi32> to vector<16x1xi32>
      %gather3A_289 = vector.shape_cast %broadcast_in_dim3A_288 : vector<16x1xi32> to vector<16xi32>
      %gather3A_290 = tpu.dynamic_gather %get3A_284[%gather3A_289] in [0] : vector<16xf32>, vector<16xi32> -> vector<16xf32>
      %select_n3A_291 = arith.select %eq3A_287, %gather3A_290, %select_n3A_279 : vector<16xi1>, vector<16xf32>
      %get3A_292 = arith.constant 13 : i32
      %get3A_293 = arith.index_cast %get3A_292 : i32 to index
      %get3A_294 = arith.index_cast %multiple_of3A_133 : i32 to index
      %get3A_295 = tpu.vector_load %arg6[%get3A_293, %get3A_294] {strides = array<i32>} : memref<64x128xf32, #tpu.memory_space<vmem>>, vector<1x16xf32>,
      %get3A_296 = vector.shape_cast %get3A_295 : vector<1x16xf32> to vector<16xf32>
      %eq3A_297 = arith.constant 13 : i32
      %eq3A_298 = vector.broadcast %eq3A_297 : i32 to vector<16xi32>
      %eq3A_299 = arith.cmpi eq, %iota3A, %eq3A_298 : vector<16xi32>
      %broadcast_in_dim3A_300 = vector.shape_cast %broadcast_in_dim3A : vector<16xi32> to vector<16x1xi32>
      %gather3A_301 = vector.shape_cast %broadcast_in_dim3A_300 : vector<16x1xi32> to vector<16xi32>
      %gather3A_302 = tpu.dynamic_gather %get3A_296[%gather3A_301] in [0] : vector<16xf32>, vector<16xi32> -> vector<16xf32>
      %select_n3A_303 = arith.select %eq3A_299, %gather3A_302, %select_n3A_291 : vector<16xi1>, vector<16xf32>
      %get3A_304 = arith.constant 14 : i32
      %get3A_305 = arith.index_cast %get3A_304 : i32 to index
      %get3A_306 = arith.index_cast %multiple_of3A_133 : i32 to index
      %get3A_307 = tpu.vector_load %arg6[%get3A_305, %get3A_306] {strides = array<i32>} : memref<64x128xf32, #tpu.memory_space<vmem>>, vector<1x16xf32>,
      %get3A_308 = vector.shape_cast %get3A_307 : vector<1x16xf32> to vector<16xf32>
      %eq3A_309 = arith.constant 14 : i32
      %eq3A_310 = vector.broadcast %eq3A_309 : i32 to vector<16xi32>
      %eq3A_311 = arith.cmpi eq, %iota3A, %eq3A_310 : vector<16xi32>
      %broadcast_in_dim3A_312 = vector.shape_cast %broadcast_in_dim3A : vector<16xi32> to vector<16x1xi32>
      %gather3A_313 = vector.shape_cast %broadcast_in_dim3A_312 : vector<16x1xi32> to vector<16xi32>
      %gather3A_314 = tpu.dynamic_gather %get3A_308[%gather3A_313] in [0] : vector<16xf32>, vector<16xi32> -> vector<16xf32>
      %select_n3A_315 = arith.select %eq3A_311, %gather3A_314, %select_n3A_303 : vector<16xi1>, vector<16xf32>
      %get3A_316 = arith.constant 15 : i32
      %get3A_317 = arith.index_cast %get3A_316 : i32 to index
      %get3A_318 = arith.index_cast %multiple_of3A_133 : i32 to index
      %get3A_319 = tpu.vector_load %arg6[%get3A_317, %get3A_318] {strides = array<i32>} : memref<64x128xf32, #tpu.memory_space<vmem>>, vector<1x16xf32>,
      %get3A_320 = vector.shape_cast %get3A_319 : vector<1x16xf32> to vector<16xf32>
      %eq3A_321 = arith.constant 15 : i32
      %eq3A_322 = vector.broadcast %eq3A_321 : i32 to vector<16xi32>
      %eq3A_323 = arith.cmpi eq, %iota3A, %eq3A_322 : vector<16xi32>
      %broadcast_in_dim3A_324 = vector.shape_cast %broadcast_in_dim3A : vector<16xi32> to vector<16x1xi32>
      %gather3A_325 = vector.shape_cast %broadcast_in_dim3A_324 : vector<16x1xi32> to vector<16xi32>
      %gather3A_326 = tpu.dynamic_gather %get3A_320[%gather3A_325] in [0] : vector<16xf32>, vector<16xi32> -> vector<16xf32>
      %select_n3A_327 = arith.select %eq3A_323, %gather3A_326, %select_n3A_315 : vector<16xi1>, vector<16xf32>
      %swap3A = arith.constant 0 : i32
      %swap3A_328 = arith.index_cast %swap3A : i32 to index
      %swap3A_329 = arith.constant 0 : index
      %swap3A_330 = tpu.vector_load %arg7[%swap3A_328, %swap3A_329] {strides = array<i32>} : memref<8x64xf32, #tpu.memory_space<vmem>>, vector<1x16xf32>,
      %swap3A_331 = vector.shape_cast %swap3A_330 : vector<1x16xf32> to vector<16xf32>
      %swap3A_332 = vector.shape_cast %select_n3A_327 : vector<16xf32> to vector<1x16xf32>
      tpu.vector_store %arg7[%swap3A_328, %swap3A_329], %swap3A_332 {strides = array<i32>} : memref<8x64xf32, #tpu.memory_space<vmem>>, vector<1x16xf32>,
      %broadcast_in_dim3A_333 = arith.constant 0.000000e+00 : f32
      %broadcast_in_dim3A_334 = vector.broadcast %broadcast_in_dim3A_333 : f32 to vector<16xf32>
      %get3A_335 = arith.constant 16 : i32
      %get3A_336 = arith.index_cast %get3A_335 : i32 to index
      %get3A_337 = arith.index_cast %multiple_of3A_133 : i32 to index
      %get3A_338 = tpu.vector_load %arg6[%get3A_336, %get3A_337] {strides = array<i32>} : memref<64x128xf32, #tpu.memory_space<vmem>>, vector<1x16xf32>,
      %get3A_339 = vector.shape_cast %get3A_338 : vector<1x16xf32> to vector<16xf32>
      %eq3A_340 = arith.constant 0 : i32
      %eq3A_341 = vector.broadcast %eq3A_340 : i32 to vector<16xi32>
      %eq3A_342 = arith.cmpi eq, %iota3A, %eq3A_341 : vector<16xi32>
      %broadcast_in_dim3A_343 = vector.shape_cast %broadcast_in_dim3A : vector<16xi32> to vector<16x1xi32>
      %gather3A_344 = vector.shape_cast %broadcast_in_dim3A_343 : vector<16x1xi32> to vector<16xi32>
      %gather3A_345 = tpu.dynamic_gather %get3A_339[%gather3A_344] in [0] : vector<16xf32>, vector<16xi32> -> vector<16xf32>
      %select_n3A_346 = arith.select %eq3A_342, %gather3A_345, %broadcast_in_dim3A_334 : vector<16xi1>, vector<16xf32>
      %get3A_347 = arith.constant 17 : i32
      %get3A_348 = arith.index_cast %get3A_347 : i32 to index
      %get3A_349 = arith.index_cast %multiple_of3A_133 : i32 to index
      %get3A_350 = tpu.vector_load %arg6[%get3A_348, %get3A_349] {strides = array<i32>} : memref<64x128xf32, #tpu.memory_space<vmem>>, vector<1x16xf32>,
      %get3A_351 = vector.shape_cast %get3A_350 : vector<1x16xf32> to vector<16xf32>
      %eq3A_352 = arith.constant 1 : i32
      %eq3A_353 = vector.broadcast %eq3A_352 : i32 to vector<16xi32>
      %eq3A_354 = arith.cmpi eq, %iota3A, %eq3A_353 : vector<16xi32>
      %broadcast_in_dim3A_355 = vector.shape_cast %broadcast_in_dim3A : vector<16xi32> to vector<16x1xi32>
      %gather3A_356 = vector.shape_cast %broadcast_in_dim3A_355 : vector<16x1xi32> to vector<16xi32>
      %gather3A_357 = tpu.dynamic_gather %get3A_351[%gather3A_356] in [0] : vector<16xf32>, vector<16xi32> -> vector<16xf32>
      %select_n3A_358 = arith.select %eq3A_354, %gather3A_357, %select_n3A_346 : vector<16xi1>, vector<16xf32>
      %get3A_359 = arith.constant 18 : i32
      %get3A_360 = arith.index_cast %get3A_359 : i32 to index
      %get3A_361 = arith.index_cast %multiple_of3A_133 : i32 to index
      %get3A_362 = tpu.vector_load %arg6[%get3A_360, %get3A_361] {strides = array<i32>} : memref<64x128xf32, #tpu.memory_space<vmem>>, vector<1x16xf32>,
      %get3A_363 = vector.shape_cast %get3A_362 : vector<1x16xf32> to vector<16xf32>
      %eq3A_364 = arith.constant 2 : i32
      %eq3A_365 = vector.broadcast %eq3A_364 : i32 to vector<16xi32>
      %eq3A_366 = arith.cmpi eq, %iota3A, %eq3A_365 : vector<16xi32>
      %broadcast_in_dim3A_367 = vector.shape_cast %broadcast_in_dim3A : vector<16xi32> to vector<16x1xi32>
      %gather3A_368 = vector.shape_cast %broadcast_in_dim3A_367 : vector<16x1xi32> to vector<16xi32>
      %gather3A_369 = tpu.dynamic_gather %get3A_363[%gather3A_368] in [0] : vector<16xf32>, vector<16xi32> -> vector<16xf32>
      %select_n3A_370 = arith.select %eq3A_366, %gather3A_369, %select_n3A_358 : vector<16xi1>, vector<16xf32>
      %get3A_371 = arith.constant 19 : i32
      %get3A_372 = arith.index_cast %get3A_371 : i32 to index
      %get3A_373 = arith.index_cast %multiple_of3A_133 : i32 to index
      %get3A_374 = tpu.vector_load %arg6[%get3A_372, %get3A_373] {strides = array<i32>} : memref<64x128xf32, #tpu.memory_space<vmem>>, vector<1x16xf32>,
      %get3A_375 = vector.shape_cast %get3A_374 : vector<1x16xf32> to vector<16xf32>
      %eq3A_376 = arith.constant 3 : i32
      %eq3A_377 = vector.broadcast %eq3A_376 : i32 to vector<16xi32>
      %eq3A_378 = arith.cmpi eq, %iota3A, %eq3A_377 : vector<16xi32>
      %broadcast_in_dim3A_379 = vector.shape_cast %broadcast_in_dim3A : vector<16xi32> to vector<16x1xi32>
      %gather3A_380 = vector.shape_cast %broadcast_in_dim3A_379 : vector<16x1xi32> to vector<16xi32>
      %gather3A_381 = tpu.dynamic_gather %get3A_375[%gather3A_380] in [0] : vector<16xf32>, vector<16xi32> -> vector<16xf32>
      %select_n3A_382 = arith.select %eq3A_378, %gather3A_381, %select_n3A_370 : vector<16xi1>, vector<16xf32>
      %get3A_383 = arith.constant 20 : i32
      %get3A_384 = arith.index_cast %get3A_383 : i32 to index
      %get3A_385 = arith.index_cast %multiple_of3A_133 : i32 to index
      %get3A_386 = tpu.vector_load %arg6[%get3A_384, %get3A_385] {strides = array<i32>} : memref<64x128xf32, #tpu.memory_space<vmem>>, vector<1x16xf32>,
      %get3A_387 = vector.shape_cast %get3A_386 : vector<1x16xf32> to vector<16xf32>
      %eq3A_388 = arith.constant 4 : i32
      %eq3A_389 = vector.broadcast %eq3A_388 : i32 to vector<16xi32>
      %eq3A_390 = arith.cmpi eq, %iota3A, %eq3A_389 : vector<16xi32>
      %broadcast_in_dim3A_391 = vector.shape_cast %broadcast_in_dim3A : vector<16xi32> to vector<16x1xi32>
      %gather3A_392 = vector.shape_cast %broadcast_in_dim3A_391 : vector<16x1xi32> to vector<16xi32>
      %gather3A_393 = tpu.dynamic_gather %get3A_387[%gather3A_392] in [0] : vector<16xf32>, vector<16xi32> -> vector<16xf32>
      %select_n3A_394 = arith.select %eq3A_390, %gather3A_393, %select_n3A_382 : vector<16xi1>, vector<16xf32>
      %get3A_395 = arith.constant 21 : i32
      %get3A_396 = arith.index_cast %get3A_395 : i32 to index
      %get3A_397 = arith.index_cast %multiple_of3A_133 : i32 to index
      %get3A_398 = tpu.vector_load %arg6[%get3A_396, %get3A_397] {strides = array<i32>} : memref<64x128xf32, #tpu.memory_space<vmem>>, vector<1x16xf32>,
      %get3A_399 = vector.shape_cast %get3A_398 : vector<1x16xf32> to vector<16xf32>
      %eq3A_400 = arith.constant 5 : i32
      %eq3A_401 = vector.broadcast %eq3A_400 : i32 to vector<16xi32>
      %eq3A_402 = arith.cmpi eq, %iota3A, %eq3A_401 : vector<16xi32>
      %broadcast_in_dim3A_403 = vector.shape_cast %broadcast_in_dim3A : vector<16xi32> to vector<16x1xi32>
      %gather3A_404 = vector.shape_cast %broadcast_in_dim3A_403 : vector<16x1xi32> to vector<16xi32>
      %gather3A_405 = tpu.dynamic_gather %get3A_399[%gather3A_404] in [0] : vector<16xf32>, vector<16xi32> -> vector<16xf32>
      %select_n3A_406 = arith.select %eq3A_402, %gather3A_405, %select_n3A_394 : vector<16xi1>, vector<16xf32>
      %get3A_407 = arith.constant 22 : i32
      %get3A_408 = arith.index_cast %get3A_407 : i32 to index
      %get3A_409 = arith.index_cast %multiple_of3A_133 : i32 to index
      %get3A_410 = tpu.vector_load %arg6[%get3A_408, %get3A_409] {strides = array<i32>} : memref<64x128xf32, #tpu.memory_space<vmem>>, vector<1x16xf32>,
      %get3A_411 = vector.shape_cast %get3A_410 : vector<1x16xf32> to vector<16xf32>
      %eq3A_412 = arith.constant 6 : i32
      %eq3A_413 = vector.broadcast %eq3A_412 : i32 to vector<16xi32>
      %eq3A_414 = arith.cmpi eq, %iota3A, %eq3A_413 : vector<16xi32>
      %broadcast_in_dim3A_415 = vector.shape_cast %broadcast_in_dim3A : vector<16xi32> to vector<16x1xi32>
      %gather3A_416 = vector.shape_cast %broadcast_in_dim3A_415 : vector<16x1xi32> to vector<16xi32>
      %gather3A_417 = tpu.dynamic_gather %get3A_411[%gather3A_416] in [0] : vector<16xf32>, vector<16xi32> -> vector<16xf32>
      %select_n3A_418 = arith.select %eq3A_414, %gather3A_417, %select_n3A_406 : vector<16xi1>, vector<16xf32>
      %get3A_419 = arith.constant 23 : i32
      %get3A_420 = arith.index_cast %get3A_419 : i32 to index
      %get3A_421 = arith.index_cast %multiple_of3A_133 : i32 to index
      %get3A_422 = tpu.vector_load %arg6[%get3A_420, %get3A_421] {strides = array<i32>} : memref<64x128xf32, #tpu.memory_space<vmem>>, vector<1x16xf32>,
      %get3A_423 = vector.shape_cast %get3A_422 : vector<1x16xf32> to vector<16xf32>
      %eq3A_424 = arith.constant 7 : i32
      %eq3A_425 = vector.broadcast %eq3A_424 : i32 to vector<16xi32>
      %eq3A_426 = arith.cmpi eq, %iota3A, %eq3A_425 : vector<16xi32>
      %broadcast_in_dim3A_427 = vector.shape_cast %broadcast_in_dim3A : vector<16xi32> to vector<16x1xi32>
      %gather3A_428 = vector.shape_cast %broadcast_in_dim3A_427 : vector<16x1xi32> to vector<16xi32>
      %gather3A_429 = tpu.dynamic_gather %get3A_423[%gather3A_428] in [0] : vector<16xf32>, vector<16xi32> -> vector<16xf32>
      %select_n3A_430 = arith.select %eq3A_426, %gather3A_429, %select_n3A_418 : vector<16xi1>, vector<16xf32>
      %get3A_431 = arith.constant 24 : i32
      %get3A_432 = arith.index_cast %get3A_431 : i32 to index
      %get3A_433 = arith.index_cast %multiple_of3A_133 : i32 to index
      %get3A_434 = tpu.vector_load %arg6[%get3A_432, %get3A_433] {strides = array<i32>} : memref<64x128xf32, #tpu.memory_space<vmem>>, vector<1x16xf32>,
      %get3A_435 = vector.shape_cast %get3A_434 : vector<1x16xf32> to vector<16xf32>
      %eq3A_436 = arith.constant 8 : i32
      %eq3A_437 = vector.broadcast %eq3A_436 : i32 to vector<16xi32>
      %eq3A_438 = arith.cmpi eq, %iota3A, %eq3A_437 : vector<16xi32>
      %broadcast_in_dim3A_439 = vector.shape_cast %broadcast_in_dim3A : vector<16xi32> to vector<16x1xi32>
      %gather3A_440 = vector.shape_cast %broadcast_in_dim3A_439 : vector<16x1xi32> to vector<16xi32>
      %gather3A_441 = tpu.dynamic_gather %get3A_435[%gather3A_440] in [0] : vector<16xf32>, vector<16xi32> -> vector<16xf32>
      %select_n3A_442 = arith.select %eq3A_438, %gather3A_441, %select_n3A_430 : vector<16xi1>, vector<16xf32>
      %get3A_443 = arith.constant 25 : i32
      %get3A_444 = arith.index_cast %get3A_443 : i32 to index
      %get3A_445 = arith.index_cast %multiple_of3A_133 : i32 to index
      %get3A_446 = tpu.vector_load %arg6[%get3A_444, %get3A_445] {strides = array<i32>} : memref<64x128xf32, #tpu.memory_space<vmem>>, vector<1x16xf32>,
      %get3A_447 = vector.shape_cast %get3A_446 : vector<1x16xf32> to vector<16xf32>
      %eq3A_448 = arith.constant 9 : i32
      %eq3A_449 = vector.broadcast %eq3A_448 : i32 to vector<16xi32>
      %eq3A_450 = arith.cmpi eq, %iota3A, %eq3A_449 : vector<16xi32>
      %broadcast_in_dim3A_451 = vector.shape_cast %broadcast_in_dim3A : vector<16xi32> to vector<16x1xi32>
      %gather3A_452 = vector.shape_cast %broadcast_in_dim3A_451 : vector<16x1xi32> to vector<16xi32>
      %gather3A_453 = tpu.dynamic_gather %get3A_447[%gather3A_452] in [0] : vector<16xf32>, vector<16xi32> -> vector<16xf32>
      %select_n3A_454 = arith.select %eq3A_450, %gather3A_453, %select_n3A_442 : vector<16xi1>, vector<16xf32>
      %get3A_455 = arith.constant 26 : i32
      %get3A_456 = arith.index_cast %get3A_455 : i32 to index
      %get3A_457 = arith.index_cast %multiple_of3A_133 : i32 to index
      %get3A_458 = tpu.vector_load %arg6[%get3A_456, %get3A_457] {strides = array<i32>} : memref<64x128xf32, #tpu.memory_space<vmem>>, vector<1x16xf32>,
      %get3A_459 = vector.shape_cast %get3A_458 : vector<1x16xf32> to vector<16xf32>
      %eq3A_460 = arith.constant 10 : i32
      %eq3A_461 = vector.broadcast %eq3A_460 : i32 to vector<16xi32>
      %eq3A_462 = arith.cmpi eq, %iota3A, %eq3A_461 : vector<16xi32>
      %broadcast_in_dim3A_463 = vector.shape_cast %broadcast_in_dim3A : vector<16xi32> to vector<16x1xi32>
      %gather3A_464 = vector.shape_cast %broadcast_in_dim3A_463 : vector<16x1xi32> to vector<16xi32>
      %gather3A_465 = tpu.dynamic_gather %get3A_459[%gather3A_464] in [0] : vector<16xf32>, vector<16xi32> -> vector<16xf32>
      %select_n3A_466 = arith.select %eq3A_462, %gather3A_465, %select_n3A_454 : vector<16xi1>, vector<16xf32>
      %get3A_467 = arith.constant 27 : i32
      %get3A_468 = arith.index_cast %get3A_467 : i32 to index
      %get3A_469 = arith.index_cast %multiple_of3A_133 : i32 to index
      %get3A_470 = tpu.vector_load %arg6[%get3A_468, %get3A_469] {strides = array<i32>} : memref<64x128xf32, #tpu.memory_space<vmem>>, vector<1x16xf32>,
      %get3A_471 = vector.shape_cast %get3A_470 : vector<1x16xf32> to vector<16xf32>
      %eq3A_472 = arith.constant 11 : i32
      %eq3A_473 = vector.broadcast %eq3A_472 : i32 to vector<16xi32>
      %eq3A_474 = arith.cmpi eq, %iota3A, %eq3A_473 : vector<16xi32>
      %broadcast_in_dim3A_475 = vector.shape_cast %broadcast_in_dim3A : vector<16xi32> to vector<16x1xi32>
      %gather3A_476 = vector.shape_cast %broadcast_in_dim3A_475 : vector<16x1xi32> to vector<16xi32>
      %gather3A_477 = tpu.dynamic_gather %get3A_471[%gather3A_476] in [0] : vector<16xf32>, vector<16xi32> -> vector<16xf32>
      %select_n3A_478 = arith.select %eq3A_474, %gather3A_477, %select_n3A_466 : vector<16xi1>, vector<16xf32>
      %get3A_479 = arith.constant 28 : i32
      %get3A_480 = arith.index_cast %get3A_479 : i32 to index
      %get3A_481 = arith.index_cast %multiple_of3A_133 : i32 to index
      %get3A_482 = tpu.vector_load %arg6[%get3A_480, %get3A_481] {strides = array<i32>} : memref<64x128xf32, #tpu.memory_space<vmem>>, vector<1x16xf32>,
      %get3A_483 = vector.shape_cast %get3A_482 : vector<1x16xf32> to vector<16xf32>
      %eq3A_484 = arith.constant 12 : i32
      %eq3A_485 = vector.broadcast %eq3A_484 : i32 to vector<16xi32>
      %eq3A_486 = arith.cmpi eq, %iota3A, %eq3A_485 : vector<16xi32>
      %broadcast_in_dim3A_487 = vector.shape_cast %broadcast_in_dim3A : vector<16xi32> to vector<16x1xi32>
      %gather3A_488 = vector.shape_cast %broadcast_in_dim3A_487 : vector<16x1xi32> to vector<16xi32>
      %gather3A_489 = tpu.dynamic_gather %get3A_483[%gather3A_488] in [0] : vector<16xf32>, vector<16xi32> -> vector<16xf32>
      %select_n3A_490 = arith.select %eq3A_486, %gather3A_489, %select_n3A_478 : vector<16xi1>, vector<16xf32>
      %get3A_491 = arith.constant 29 : i32
      %get3A_492 = arith.index_cast %get3A_491 : i32 to index
      %get3A_493 = arith.index_cast %multiple_of3A_133 : i32 to index
      %get3A_494 = tpu.vector_load %arg6[%get3A_492, %get3A_493] {strides = array<i32>} : memref<64x128xf32, #tpu.memory_space<vmem>>, vector<1x16xf32>,
      %get3A_495 = vector.shape_cast %get3A_494 : vector<1x16xf32> to vector<16xf32>
      %eq3A_496 = arith.constant 13 : i32
      %eq3A_497 = vector.broadcast %eq3A_496 : i32 to vector<16xi32>
      %eq3A_498 = arith.cmpi eq, %iota3A, %eq3A_497 : vector<16xi32>
      %broadcast_in_dim3A_499 = vector.shape_cast %broadcast_in_dim3A : vector<16xi32> to vector<16x1xi32>
      %gather3A_500 = vector.shape_cast %broadcast_in_dim3A_499 : vector<16x1xi32> to vector<16xi32>
      %gather3A_501 = tpu.dynamic_gather %get3A_495[%gather3A_500] in [0] : vector<16xf32>, vector<16xi32> -> vector<16xf32>
      %select_n3A_502 = arith.select %eq3A_498, %gather3A_501, %select_n3A_490 : vector<16xi1>, vector<16xf32>
      %get3A_503 = arith.constant 30 : i32
      %get3A_504 = arith.index_cast %get3A_503 : i32 to index
      %get3A_505 = arith.index_cast %multiple_of3A_133 : i32 to index
      %get3A_506 = tpu.vector_load %arg6[%get3A_504, %get3A_505] {strides = array<i32>} : memref<64x128xf32, #tpu.memory_space<vmem>>, vector<1x16xf32>,
      %get3A_507 = vector.shape_cast %get3A_506 : vector<1x16xf32> to vector<16xf32>
      %eq3A_508 = arith.constant 14 : i32
      %eq3A_509 = vector.broadcast %eq3A_508 : i32 to vector<16xi32>
      %eq3A_510 = arith.cmpi eq, %iota3A, %eq3A_509 : vector<16xi32>
      %broadcast_in_dim3A_511 = vector.shape_cast %broadcast_in_dim3A : vector<16xi32> to vector<16x1xi32>
      %gather3A_512 = vector.shape_cast %broadcast_in_dim3A_511 : vector<16x1xi32> to vector<16xi32>
      %gather3A_513 = tpu.dynamic_gather %get3A_507[%gather3A_512] in [0] : vector<16xf32>, vector<16xi32> -> vector<16xf32>
      %select_n3A_514 = arith.select %eq3A_510, %gather3A_513, %select_n3A_502 : vector<16xi1>, vector<16xf32>
      %get3A_515 = arith.constant 31 : i32
      %get3A_516 = arith.index_cast %get3A_515 : i32 to index
      %get3A_517 = arith.index_cast %multiple_of3A_133 : i32 to index
      %get3A_518 = tpu.vector_load %arg6[%get3A_516, %get3A_517] {strides = array<i32>} : memref<64x128xf32, #tpu.memory_space<vmem>>, vector<1x16xf32>,
      %get3A_519 = vector.shape_cast %get3A_518 : vector<1x16xf32> to vector<16xf32>
      %eq3A_520 = arith.constant 15 : i32
      %eq3A_521 = vector.broadcast %eq3A_520 : i32 to vector<16xi32>
      %eq3A_522 = arith.cmpi eq, %iota3A, %eq3A_521 : vector<16xi32>
      %broadcast_in_dim3A_523 = vector.shape_cast %broadcast_in_dim3A : vector<16xi32> to vector<16x1xi32>
      %gather3A_524 = vector.shape_cast %broadcast_in_dim3A_523 : vector<16x1xi32> to vector<16xi32>
      %gather3A_525 = tpu.dynamic_gather %get3A_519[%gather3A_524] in [0] : vector<16xf32>, vector<16xi32> -> vector<16xf32>
      %select_n3A_526 = arith.select %eq3A_522, %gather3A_525, %select_n3A_514 : vector<16xi1>, vector<16xf32>
      %swap3A_527 = arith.constant 0 : i32
      %swap3A_528 = arith.index_cast %swap3A_527 : i32 to index
      %swap3A_529 = arith.constant 16 : index
      %swap3A_530 = tpu.vector_load %arg7[%swap3A_528, %swap3A_529] {strides = array<i32>} : memref<8x64xf32, #tpu.memory_space<vmem>>, vector<1x16xf32>,
      %swap3A_531 = vector.shape_cast %swap3A_530 : vector<1x16xf32> to vector<16xf32>
      %swap3A_532 = vector.shape_cast %select_n3A_526 : vector<16xf32> to vector<1x16xf32>
      tpu.vector_store %arg7[%swap3A_528, %swap3A_529], %swap3A_532 {strides = array<i32>} : memref<8x64xf32, #tpu.memory_space<vmem>>, vector<1x16xf32>,
      %broadcast_in_dim3A_533 = arith.constant 0.000000e+00 : f32
      %broadcast_in_dim3A_534 = vector.broadcast %broadcast_in_dim3A_533 : f32 to vector<16xf32>
      %get3A_535 = arith.constant 32 : i32
      %get3A_536 = arith.index_cast %get3A_535 : i32 to index
      %get3A_537 = arith.index_cast %multiple_of3A_133 : i32 to index
      %get3A_538 = tpu.vector_load %arg6[%get3A_536, %get3A_537] {strides = array<i32>} : memref<64x128xf32, #tpu.memory_space<vmem>>, vector<1x16xf32>,
      %get3A_539 = vector.shape_cast %get3A_538 : vector<1x16xf32> to vector<16xf32>
      %eq3A_540 = arith.constant 0 : i32
      %eq3A_541 = vector.broadcast %eq3A_540 : i32 to vector<16xi32>
      %eq3A_542 = arith.cmpi eq, %iota3A, %eq3A_541 : vector<16xi32>
      %broadcast_in_dim3A_543 = vector.shape_cast %broadcast_in_dim3A : vector<16xi32> to vector<16x1xi32>
      %gather3A_544 = vector.shape_cast %broadcast_in_dim3A_543 : vector<16x1xi32> to vector<16xi32>
      %gather3A_545 = tpu.dynamic_gather %get3A_539[%gather3A_544] in [0] : vector<16xf32>, vector<16xi32> -> vector<16xf32>
      %select_n3A_546 = arith.select %eq3A_542, %gather3A_545, %broadcast_in_dim3A_534 : vector<16xi1>, vector<16xf32>
      %get3A_547 = arith.constant 33 : i32
      %get3A_548 = arith.index_cast %get3A_547 : i32 to index
      %get3A_549 = arith.index_cast %multiple_of3A_133 : i32 to index
      %get3A_550 = tpu.vector_load %arg6[%get3A_548, %get3A_549] {strides = array<i32>} : memref<64x128xf32, #tpu.memory_space<vmem>>, vector<1x16xf32>,
      %get3A_551 = vector.shape_cast %get3A_550 : vector<1x16xf32> to vector<16xf32>
      %eq3A_552 = arith.constant 1 : i32
      %eq3A_553 = vector.broadcast %eq3A_552 : i32 to vector<16xi32>
      %eq3A_554 = arith.cmpi eq, %iota3A, %eq3A_553 : vector<16xi32>
      %broadcast_in_dim3A_555 = vector.shape_cast %broadcast_in_dim3A : vector<16xi32> to vector<16x1xi32>
      %gather3A_556 = vector.shape_cast %broadcast_in_dim3A_555 : vector<16x1xi32> to vector<16xi32>
      %gather3A_557 = tpu.dynamic_gather %get3A_551[%gather3A_556] in [0] : vector<16xf32>, vector<16xi32> -> vector<16xf32>
      %select_n3A_558 = arith.select %eq3A_554, %gather3A_557, %select_n3A_546 : vector<16xi1>, vector<16xf32>
      %get3A_559 = arith.constant 34 : i32
      %get3A_560 = arith.index_cast %get3A_559 : i32 to index
      %get3A_561 = arith.index_cast %multiple_of3A_133 : i32 to index
      %get3A_562 = tpu.vector_load %arg6[%get3A_560, %get3A_561] {strides = array<i32>} : memref<64x128xf32, #tpu.memory_space<vmem>>, vector<1x16xf32>,
      %get3A_563 = vector.shape_cast %get3A_562 : vector<1x16xf32> to vector<16xf32>
      %eq3A_564 = arith.constant 2 : i32
      %eq3A_565 = vector.broadcast %eq3A_564 : i32 to vector<16xi32>
      %eq3A_566 = arith.cmpi eq, %iota3A, %eq3A_565 : vector<16xi32>
      %broadcast_in_dim3A_567 = vector.shape_cast %broadcast_in_dim3A : vector<16xi32> to vector<16x1xi32>
      %gather3A_568 = vector.shape_cast %broadcast_in_dim3A_567 : vector<16x1xi32> to vector<16xi32>
      %gather3A_569 = tpu.dynamic_gather %get3A_563[%gather3A_568] in [0] : vector<16xf32>, vector<16xi32> -> vector<16xf32>
      %select_n3A_570 = arith.select %eq3A_566, %gather3A_569, %select_n3A_558 : vector<16xi1>, vector<16xf32>
      %get3A_571 = arith.constant 35 : i32
      %get3A_572 = arith.index_cast %get3A_571 : i32 to index
      %get3A_573 = arith.index_cast %multiple_of3A_133 : i32 to index
      %get3A_574 = tpu.vector_load %arg6[%get3A_572, %get3A_573] {strides = array<i32>} : memref<64x128xf32, #tpu.memory_space<vmem>>, vector<1x16xf32>,
      %get3A_575 = vector.shape_cast %get3A_574 : vector<1x16xf32> to vector<16xf32>
      %eq3A_576 = arith.constant 3 : i32
      %eq3A_577 = vector.broadcast %eq3A_576 : i32 to vector<16xi32>
      %eq3A_578 = arith.cmpi eq, %iota3A, %eq3A_577 : vector<16xi32>
      %broadcast_in_dim3A_579 = vector.shape_cast %broadcast_in_dim3A : vector<16xi32> to vector<16x1xi32>
      %gather3A_580 = vector.shape_cast %broadcast_in_dim3A_579 : vector<16x1xi32> to vector<16xi32>
      %gather3A_581 = tpu.dynamic_gather %get3A_575[%gather3A_580] in [0] : vector<16xf32>, vector<16xi32> -> vector<16xf32>
      %select_n3A_582 = arith.select %eq3A_578, %gather3A_581, %select_n3A_570 : vector<16xi1>, vector<16xf32>
      %get3A_583 = arith.constant 36 : i32
      %get3A_584 = arith.index_cast %get3A_583 : i32 to index
      %get3A_585 = arith.index_cast %multiple_of3A_133 : i32 to index
      %get3A_586 = tpu.vector_load %arg6[%get3A_584, %get3A_585] {strides = array<i32>} : memref<64x128xf32, #tpu.memory_space<vmem>>, vector<1x16xf32>,
      %get3A_587 = vector.shape_cast %get3A_586 : vector<1x16xf32> to vector<16xf32>
      %eq3A_588 = arith.constant 4 : i32
      %eq3A_589 = vector.broadcast %eq3A_588 : i32 to vector<16xi32>
      %eq3A_590 = arith.cmpi eq, %iota3A, %eq3A_589 : vector<16xi32>
      %broadcast_in_dim3A_591 = vector.shape_cast %broadcast_in_dim3A : vector<16xi32> to vector<16x1xi32>
      %gather3A_592 = vector.shape_cast %broadcast_in_dim3A_591 : vector<16x1xi32> to vector<16xi32>
      %gather3A_593 = tpu.dynamic_gather %get3A_587[%gather3A_592] in [0] : vector<16xf32>, vector<16xi32> -> vector<16xf32>
      %select_n3A_594 = arith.select %eq3A_590, %gather3A_593, %select_n3A_582 : vector<16xi1>, vector<16xf32>
      %get3A_595 = arith.constant 37 : i32
      %get3A_596 = arith.index_cast %get3A_595 : i32 to index
      %get3A_597 = arith.index_cast %multiple_of3A_133 : i32 to index
      %get3A_598 = tpu.vector_load %arg6[%get3A_596, %get3A_597] {strides = array<i32>} : memref<64x128xf32, #tpu.memory_space<vmem>>, vector<1x16xf32>,
      %get3A_599 = vector.shape_cast %get3A_598 : vector<1x16xf32> to vector<16xf32>
      %eq3A_600 = arith.constant 5 : i32
      %eq3A_601 = vector.broadcast %eq3A_600 : i32 to vector<16xi32>
      %eq3A_602 = arith.cmpi eq, %iota3A, %eq3A_601 : vector<16xi32>
      %broadcast_in_dim3A_603 = vector.shape_cast %broadcast_in_dim3A : vector<16xi32> to vector<16x1xi32>
      %gather3A_604 = vector.shape_cast %broadcast_in_dim3A_603 : vector<16x1xi32> to vector<16xi32>
      %gather3A_605 = tpu.dynamic_gather %get3A_599[%gather3A_604] in [0] : vector<16xf32>, vector<16xi32> -> vector<16xf32>
      %select_n3A_606 = arith.select %eq3A_602, %gather3A_605, %select_n3A_594 : vector<16xi1>, vector<16xf32>
      %get3A_607 = arith.constant 38 : i32
      %get3A_608 = arith.index_cast %get3A_607 : i32 to index
      %get3A_609 = arith.index_cast %multiple_of3A_133 : i32 to index
      %get3A_610 = tpu.vector_load %arg6[%get3A_608, %get3A_609] {strides = array<i32>} : memref<64x128xf32, #tpu.memory_space<vmem>>, vector<1x16xf32>,
      %get3A_611 = vector.shape_cast %get3A_610 : vector<1x16xf32> to vector<16xf32>
      %eq3A_612 = arith.constant 6 : i32
      %eq3A_613 = vector.broadcast %eq3A_612 : i32 to vector<16xi32>
      %eq3A_614 = arith.cmpi eq, %iota3A, %eq3A_613 : vector<16xi32>
      %broadcast_in_dim3A_615 = vector.shape_cast %broadcast_in_dim3A : vector<16xi32> to vector<16x1xi32>
      %gather3A_616 = vector.shape_cast %broadcast_in_dim3A_615 : vector<16x1xi32> to vector<16xi32>
      %gather3A_617 = tpu.dynamic_gather %get3A_611[%gather3A_616] in [0] : vector<16xf32>, vector<16xi32> -> vector<16xf32>
      %select_n3A_618 = arith.select %eq3A_614, %gather3A_617, %select_n3A_606 : vector<16xi1>, vector<16xf32>
      %get3A_619 = arith.constant 39 : i32
      %get3A_620 = arith.index_cast %get3A_619 : i32 to index
      %get3A_621 = arith.index_cast %multiple_of3A_133 : i32 to index
      %get3A_622 = tpu.vector_load %arg6[%get3A_620, %get3A_621] {strides = array<i32>} : memref<64x128xf32, #tpu.memory_space<vmem>>, vector<1x16xf32>,
      %get3A_623 = vector.shape_cast %get3A_622 : vector<1x16xf32> to vector<16xf32>
      %eq3A_624 = arith.constant 7 : i32
      %eq3A_625 = vector.broadcast %eq3A_624 : i32 to vector<16xi32>
      %eq3A_626 = arith.cmpi eq, %iota3A, %eq3A_625 : vector<16xi32>
      %broadcast_in_dim3A_627 = vector.shape_cast %broadcast_in_dim3A : vector<16xi32> to vector<16x1xi32>
      %gather3A_628 = vector.shape_cast %broadcast_in_dim3A_627 : vector<16x1xi32> to vector<16xi32>
      %gather3A_629 = tpu.dynamic_gather %get3A_623[%gather3A_628] in [0] : vector<16xf32>, vector<16xi32> -> vector<16xf32>
      %select_n3A_630 = arith.select %eq3A_626, %gather3A_629, %select_n3A_618 : vector<16xi1>, vector<16xf32>
      %get3A_631 = arith.constant 40 : i32
      %get3A_632 = arith.index_cast %get3A_631 : i32 to index
      %get3A_633 = arith.index_cast %multiple_of3A_133 : i32 to index
      %get3A_634 = tpu.vector_load %arg6[%get3A_632, %get3A_633] {strides = array<i32>} : memref<64x128xf32, #tpu.memory_space<vmem>>, vector<1x16xf32>,
      %get3A_635 = vector.shape_cast %get3A_634 : vector<1x16xf32> to vector<16xf32>
      %eq3A_636 = arith.constant 8 : i32
      %eq3A_637 = vector.broadcast %eq3A_636 : i32 to vector<16xi32>
      %eq3A_638 = arith.cmpi eq, %iota3A, %eq3A_637 : vector<16xi32>
      %broadcast_in_dim3A_639 = vector.shape_cast %broadcast_in_dim3A : vector<16xi32> to vector<16x1xi32>
      %gather3A_640 = vector.shape_cast %broadcast_in_dim3A_639 : vector<16x1xi32> to vector<16xi32>
      %gather3A_641 = tpu.dynamic_gather %get3A_635[%gather3A_640] in [0] : vector<16xf32>, vector<16xi32> -> vector<16xf32>
      %select_n3A_642 = arith.select %eq3A_638, %gather3A_641, %select_n3A_630 : vector<16xi1>, vector<16xf32>
      %get3A_643 = arith.constant 41 : i32
      %get3A_644 = arith.index_cast %get3A_643 : i32 to index
      %get3A_645 = arith.index_cast %multiple_of3A_133 : i32 to index
      %get3A_646 = tpu.vector_load %arg6[%get3A_644, %get3A_645] {strides = array<i32>} : memref<64x128xf32, #tpu.memory_space<vmem>>, vector<1x16xf32>,
      %get3A_647 = vector.shape_cast %get3A_646 : vector<1x16xf32> to vector<16xf32>
      %eq3A_648 = arith.constant 9 : i32
      %eq3A_649 = vector.broadcast %eq3A_648 : i32 to vector<16xi32>
      %eq3A_650 = arith.cmpi eq, %iota3A, %eq3A_649 : vector<16xi32>
      %broadcast_in_dim3A_651 = vector.shape_cast %broadcast_in_dim3A : vector<16xi32> to vector<16x1xi32>
      %gather3A_652 = vector.shape_cast %broadcast_in_dim3A_651 : vector<16x1xi32> to vector<16xi32>
      %gather3A_653 = tpu.dynamic_gather %get3A_647[%gather3A_652] in [0] : vector<16xf32>, vector<16xi32> -> vector<16xf32>
      %select_n3A_654 = arith.select %eq3A_650, %gather3A_653, %select_n3A_642 : vector<16xi1>, vector<16xf32>
      %get3A_655 = arith.constant 42 : i32
      %get3A_656 = arith.index_cast %get3A_655 : i32 to index
      %get3A_657 = arith.index_cast %multiple_of3A_133 : i32 to index
      %get3A_658 = tpu.vector_load %arg6[%get3A_656, %get3A_657] {strides = array<i32>} : memref<64x128xf32, #tpu.memory_space<vmem>>, vector<1x16xf32>,
      %get3A_659 = vector.shape_cast %get3A_658 : vector<1x16xf32> to vector<16xf32>
      %eq3A_660 = arith.constant 10 : i32
      %eq3A_661 = vector.broadcast %eq3A_660 : i32 to vector<16xi32>
      %eq3A_662 = arith.cmpi eq, %iota3A, %eq3A_661 : vector<16xi32>
      %broadcast_in_dim3A_663 = vector.shape_cast %broadcast_in_dim3A : vector<16xi32> to vector<16x1xi32>
      %gather3A_664 = vector.shape_cast %broadcast_in_dim3A_663 : vector<16x1xi32> to vector<16xi32>
      %gather3A_665 = tpu.dynamic_gather %get3A_659[%gather3A_664] in [0] : vector<16xf32>, vector<16xi32> -> vector<16xf32>
      %select_n3A_666 = arith.select %eq3A_662, %gather3A_665, %select_n3A_654 : vector<16xi1>, vector<16xf32>
      %get3A_667 = arith.constant 43 : i32
      %get3A_668 = arith.index_cast %get3A_667 : i32 to index
      %get3A_669 = arith.index_cast %multiple_of3A_133 : i32 to index
      %get3A_670 = tpu.vector_load %arg6[%get3A_668, %get3A_669] {strides = array<i32>} : memref<64x128xf32, #tpu.memory_space<vmem>>, vector<1x16xf32>,
      %get3A_671 = vector.shape_cast %get3A_670 : vector<1x16xf32> to vector<16xf32>
      %eq3A_672 = arith.constant 11 : i32
      %eq3A_673 = vector.broadcast %eq3A_672 : i32 to vector<16xi32>
      %eq3A_674 = arith.cmpi eq, %iota3A, %eq3A_673 : vector<16xi32>
      %broadcast_in_dim3A_675 = vector.shape_cast %broadcast_in_dim3A : vector<16xi32> to vector<16x1xi32>
      %gather3A_676 = vector.shape_cast %broadcast_in_dim3A_675 : vector<16x1xi32> to vector<16xi32>
      %gather3A_677 = tpu.dynamic_gather %get3A_671[%gather3A_676] in [0] : vector<16xf32>, vector<16xi32> -> vector<16xf32>
      %select_n3A_678 = arith.select %eq3A_674, %gather3A_677, %select_n3A_666 : vector<16xi1>, vector<16xf32>
      %get3A_679 = arith.constant 44 : i32
      %get3A_680 = arith.index_cast %get3A_679 : i32 to index
      %get3A_681 = arith.index_cast %multiple_of3A_133 : i32 to index
      %get3A_682 = tpu.vector_load %arg6[%get3A_680, %get3A_681] {strides = array<i32>} : memref<64x128xf32, #tpu.memory_space<vmem>>, vector<1x16xf32>,
      %get3A_683 = vector.shape_cast %get3A_682 : vector<1x16xf32> to vector<16xf32>
      %eq3A_684 = arith.constant 12 : i32
      %eq3A_685 = vector.broadcast %eq3A_684 : i32 to vector<16xi32>
      %eq3A_686 = arith.cmpi eq, %iota3A, %eq3A_685 : vector<16xi32>
      %broadcast_in_dim3A_687 = vector.shape_cast %broadcast_in_dim3A : vector<16xi32> to vector<16x1xi32>
      %gather3A_688 = vector.shape_cast %broadcast_in_dim3A_687 : vector<16x1xi32> to vector<16xi32>
      %gather3A_689 = tpu.dynamic_gather %get3A_683[%gather3A_688] in [0] : vector<16xf32>, vector<16xi32> -> vector<16xf32>
      %select_n3A_690 = arith.select %eq3A_686, %gather3A_689, %select_n3A_678 : vector<16xi1>, vector<16xf32>
      %get3A_691 = arith.constant 45 : i32
      %get3A_692 = arith.index_cast %get3A_691 : i32 to index
      %get3A_693 = arith.index_cast %multiple_of3A_133 : i32 to index
      %get3A_694 = tpu.vector_load %arg6[%get3A_692, %get3A_693] {strides = array<i32>} : memref<64x128xf32, #tpu.memory_space<vmem>>, vector<1x16xf32>,
      %get3A_695 = vector.shape_cast %get3A_694 : vector<1x16xf32> to vector<16xf32>
      %eq3A_696 = arith.constant 13 : i32
      %eq3A_697 = vector.broadcast %eq3A_696 : i32 to vector<16xi32>
      %eq3A_698 = arith.cmpi eq, %iota3A, %eq3A_697 : vector<16xi32>
      %broadcast_in_dim3A_699 = vector.shape_cast %broadcast_in_dim3A : vector<16xi32> to vector<16x1xi32>
      %gather3A_700 = vector.shape_cast %broadcast_in_dim3A_699 : vector<16x1xi32> to vector<16xi32>
      %gather3A_701 = tpu.dynamic_gather %get3A_695[%gather3A_700] in [0] : vector<16xf32>, vector<16xi32> -> vector<16xf32>
      %select_n3A_702 = arith.select %eq3A_698, %gather3A_701, %select_n3A_690 : vector<16xi1>, vector<16xf32>
      %get3A_703 = arith.constant 46 : i32
      %get3A_704 = arith.index_cast %get3A_703 : i32 to index
      %get3A_705 = arith.index_cast %multiple_of3A_133 : i32 to index
      %get3A_706 = tpu.vector_load %arg6[%get3A_704, %get3A_705] {strides = array<i32>} : memref<64x128xf32, #tpu.memory_space<vmem>>, vector<1x16xf32>,
      %get3A_707 = vector.shape_cast %get3A_706 : vector<1x16xf32> to vector<16xf32>
      %eq3A_708 = arith.constant 14 : i32
      %eq3A_709 = vector.broadcast %eq3A_708 : i32 to vector<16xi32>
      %eq3A_710 = arith.cmpi eq, %iota3A, %eq3A_709 : vector<16xi32>
      %broadcast_in_dim3A_711 = vector.shape_cast %broadcast_in_dim3A : vector<16xi32> to vector<16x1xi32>
      %gather3A_712 = vector.shape_cast %broadcast_in_dim3A_711 : vector<16x1xi32> to vector<16xi32>
      %gather3A_713 = tpu.dynamic_gather %get3A_707[%gather3A_712] in [0] : vector<16xf32>, vector<16xi32> -> vector<16xf32>
      %select_n3A_714 = arith.select %eq3A_710, %gather3A_713, %select_n3A_702 : vector<16xi1>, vector<16xf32>
      %get3A_715 = arith.constant 47 : i32
      %get3A_716 = arith.index_cast %get3A_715 : i32 to index
      %get3A_717 = arith.index_cast %multiple_of3A_133 : i32 to index
      %get3A_718 = tpu.vector_load %arg6[%get3A_716, %get3A_717] {strides = array<i32>} : memref<64x128xf32, #tpu.memory_space<vmem>>, vector<1x16xf32>,
      %get3A_719 = vector.shape_cast %get3A_718 : vector<1x16xf32> to vector<16xf32>
      %eq3A_720 = arith.constant 15 : i32
      %eq3A_721 = vector.broadcast %eq3A_720 : i32 to vector<16xi32>
      %eq3A_722 = arith.cmpi eq, %iota3A, %eq3A_721 : vector<16xi32>
      %broadcast_in_dim3A_723 = vector.shape_cast %broadcast_in_dim3A : vector<16xi32> to vector<16x1xi32>
      %gather3A_724 = vector.shape_cast %broadcast_in_dim3A_723 : vector<16x1xi32> to vector<16xi32>
      %gather3A_725 = tpu.dynamic_gather %get3A_719[%gather3A_724] in [0] : vector<16xf32>, vector<16xi32> -> vector<16xf32>
      %select_n3A_726 = arith.select %eq3A_722, %gather3A_725, %select_n3A_714 : vector<16xi1>, vector<16xf32>
      %swap3A_727 = arith.constant 0 : i32
      %swap3A_728 = arith.index_cast %swap3A_727 : i32 to index
      %swap3A_729 = arith.constant 32 : index
      %swap3A_730 = tpu.vector_load %arg7[%swap3A_728, %swap3A_729] {strides = array<i32>} : memref<8x64xf32, #tpu.memory_space<vmem>>, vector<1x16xf32>,
      %swap3A_731 = vector.shape_cast %swap3A_730 : vector<1x16xf32> to vector<16xf32>
      %swap3A_732 = vector.shape_cast %select_n3A_726 : vector<16xf32> to vector<1x16xf32>
      tpu.vector_store %arg7[%swap3A_728, %swap3A_729], %swap3A_732 {strides = array<i32>} : memref<8x64xf32, #tpu.memory_space<vmem>>, vector<1x16xf32>,
      %broadcast_in_dim3A_733 = arith.constant 0.000000e+00 : f32
      %broadcast_in_dim3A_734 = vector.broadcast %broadcast_in_dim3A_733 : f32 to vector<16xf32>
      %get3A_735 = arith.constant 48 : i32
      %get3A_736 = arith.index_cast %get3A_735 : i32 to index
      %get3A_737 = arith.index_cast %multiple_of3A_133 : i32 to index
      %get3A_738 = tpu.vector_load %arg6[%get3A_736, %get3A_737] {strides = array<i32>} : memref<64x128xf32, #tpu.memory_space<vmem>>, vector<1x16xf32>,
      %get3A_739 = vector.shape_cast %get3A_738 : vector<1x16xf32> to vector<16xf32>
      %eq3A_740 = arith.constant 0 : i32
      %eq3A_741 = vector.broadcast %eq3A_740 : i32 to vector<16xi32>
      %eq3A_742 = arith.cmpi eq, %iota3A, %eq3A_741 : vector<16xi32>
      %broadcast_in_dim3A_743 = vector.shape_cast %broadcast_in_dim3A : vector<16xi32> to vector<16x1xi32>
      %gather3A_744 = vector.shape_cast %broadcast_in_dim3A_743 : vector<16x1xi32> to vector<16xi32>
      %gather3A_745 = tpu.dynamic_gather %get3A_739[%gather3A_744] in [0] : vector<16xf32>, vector<16xi32> -> vector<16xf32>
      %select_n3A_746 = arith.select %eq3A_742, %gather3A_745, %broadcast_in_dim3A_734 : vector<16xi1>, vector<16xf32>
      %get3A_747 = arith.constant 49 : i32
      %get3A_748 = arith.index_cast %get3A_747 : i32 to index
      %get3A_749 = arith.index_cast %multiple_of3A_133 : i32 to index
      %get3A_750 = tpu.vector_load %arg6[%get3A_748, %get3A_749] {strides = array<i32>} : memref<64x128xf32, #tpu.memory_space<vmem>>, vector<1x16xf32>,
      %get3A_751 = vector.shape_cast %get3A_750 : vector<1x16xf32> to vector<16xf32>
      %eq3A_752 = arith.constant 1 : i32
      %eq3A_753 = vector.broadcast %eq3A_752 : i32 to vector<16xi32>
      %eq3A_754 = arith.cmpi eq, %iota3A, %eq3A_753 : vector<16xi32>
      %broadcast_in_dim3A_755 = vector.shape_cast %broadcast_in_dim3A : vector<16xi32> to vector<16x1xi32>
      %gather3A_756 = vector.shape_cast %broadcast_in_dim3A_755 : vector<16x1xi32> to vector<16xi32>
      %gather3A_757 = tpu.dynamic_gather %get3A_751[%gather3A_756] in [0] : vector<16xf32>, vector<16xi32> -> vector<16xf32>
      %select_n3A_758 = arith.select %eq3A_754, %gather3A_757, %select_n3A_746 : vector<16xi1>, vector<16xf32>
      %get3A_759 = arith.constant 50 : i32
      %get3A_760 = arith.index_cast %get3A_759 : i32 to index
      %get3A_761 = arith.index_cast %multiple_of3A_133 : i32 to index
      %get3A_762 = tpu.vector_load %arg6[%get3A_760, %get3A_761] {strides = array<i32>} : memref<64x128xf32, #tpu.memory_space<vmem>>, vector<1x16xf32>,
      %get3A_763 = vector.shape_cast %get3A_762 : vector<1x16xf32> to vector<16xf32>
      %eq3A_764 = arith.constant 2 : i32
      %eq3A_765 = vector.broadcast %eq3A_764 : i32 to vector<16xi32>
      %eq3A_766 = arith.cmpi eq, %iota3A, %eq3A_765 : vector<16xi32>
      %broadcast_in_dim3A_767 = vector.shape_cast %broadcast_in_dim3A : vector<16xi32> to vector<16x1xi32>
      %gather3A_768 = vector.shape_cast %broadcast_in_dim3A_767 : vector<16x1xi32> to vector<16xi32>
      %gather3A_769 = tpu.dynamic_gather %get3A_763[%gather3A_768] in [0] : vector<16xf32>, vector<16xi32> -> vector<16xf32>
      %select_n3A_770 = arith.select %eq3A_766, %gather3A_769, %select_n3A_758 : vector<16xi1>, vector<16xf32>
      %get3A_771 = arith.constant 51 : i32
      %get3A_772 = arith.index_cast %get3A_771 : i32 to index
      %get3A_773 = arith.index_cast %multiple_of3A_133 : i32 to index
      %get3A_774 = tpu.vector_load %arg6[%get3A_772, %get3A_773] {strides = array<i32>} : memref<64x128xf32, #tpu.memory_space<vmem>>, vector<1x16xf32>,
      %get3A_775 = vector.shape_cast %get3A_774 : vector<1x16xf32> to vector<16xf32>
      %eq3A_776 = arith.constant 3 : i32
      %eq3A_777 = vector.broadcast %eq3A_776 : i32 to vector<16xi32>
      %eq3A_778 = arith.cmpi eq, %iota3A, %eq3A_777 : vector<16xi32>
      %broadcast_in_dim3A_779 = vector.shape_cast %broadcast_in_dim3A : vector<16xi32> to vector<16x1xi32>
      %gather3A_780 = vector.shape_cast %broadcast_in_dim3A_779 : vector<16x1xi32> to vector<16xi32>
      %gather3A_781 = tpu.dynamic_gather %get3A_775[%gather3A_780] in [0] : vector<16xf32>, vector<16xi32> -> vector<16xf32>
      %select_n3A_782 = arith.select %eq3A_778, %gather3A_781, %select_n3A_770 : vector<16xi1>, vector<16xf32>
      %get3A_783 = arith.constant 52 : i32
      %get3A_784 = arith.index_cast %get3A_783 : i32 to index
      %get3A_785 = arith.index_cast %multiple_of3A_133 : i32 to index
      %get3A_786 = tpu.vector_load %arg6[%get3A_784, %get3A_785] {strides = array<i32>} : memref<64x128xf32, #tpu.memory_space<vmem>>, vector<1x16xf32>,
      %get3A_787 = vector.shape_cast %get3A_786 : vector<1x16xf32> to vector<16xf32>
      %eq3A_788 = arith.constant 4 : i32
      %eq3A_789 = vector.broadcast %eq3A_788 : i32 to vector<16xi32>
      %eq3A_790 = arith.cmpi eq, %iota3A, %eq3A_789 : vector<16xi32>
      %broadcast_in_dim3A_791 = vector.shape_cast %broadcast_in_dim3A : vector<16xi32> to vector<16x1xi32>
      %gather3A_792 = vector.shape_cast %broadcast_in_dim3A_791 : vector<16x1xi32> to vector<16xi32>
      %gather3A_793 = tpu.dynamic_gather %get3A_787[%gather3A_792] in [0] : vector<16xf32>, vector<16xi32> -> vector<16xf32>
      %select_n3A_794 = arith.select %eq3A_790, %gather3A_793, %select_n3A_782 : vector<16xi1>, vector<16xf32>
      %get3A_795 = arith.constant 53 : i32
      %get3A_796 = arith.index_cast %get3A_795 : i32 to index
      %get3A_797 = arith.index_cast %multiple_of3A_133 : i32 to index
      %get3A_798 = tpu.vector_load %arg6[%get3A_796, %get3A_797] {strides = array<i32>} : memref<64x128xf32, #tpu.memory_space<vmem>>, vector<1x16xf32>,
      %get3A_799 = vector.shape_cast %get3A_798 : vector<1x16xf32> to vector<16xf32>
      %eq3A_800 = arith.constant 5 : i32
      %eq3A_801 = vector.broadcast %eq3A_800 : i32 to vector<16xi32>
      %eq3A_802 = arith.cmpi eq, %iota3A, %eq3A_801 : vector<16xi32>
      %broadcast_in_dim3A_803 = vector.shape_cast %broadcast_in_dim3A : vector<16xi32> to vector<16x1xi32>
      %gather3A_804 = vector.shape_cast %broadcast_in_dim3A_803 : vector<16x1xi32> to vector<16xi32>
      %gather3A_805 = tpu.dynamic_gather %get3A_799[%gather3A_804] in [0] : vector<16xf32>, vector<16xi32> -> vector<16xf32>
      %select_n3A_806 = arith.select %eq3A_802, %gather3A_805, %select_n3A_794 : vector<16xi1>, vector<16xf32>
      %get3A_807 = arith.constant 54 : i32
      %get3A_808 = arith.index_cast %get3A_807 : i32 to index
      %get3A_809 = arith.index_cast %multiple_of3A_133 : i32 to index
      %get3A_810 = tpu.vector_load %arg6[%get3A_808, %get3A_809] {strides = array<i32>} : memref<64x128xf32, #tpu.memory_space<vmem>>, vector<1x16xf32>,
      %get3A_811 = vector.shape_cast %get3A_810 : vector<1x16xf32> to vector<16xf32>
      %eq3A_812 = arith.constant 6 : i32
      %eq3A_813 = vector.broadcast %eq3A_812 : i32 to vector<16xi32>
      %eq3A_814 = arith.cmpi eq, %iota3A, %eq3A_813 : vector<16xi32>
      %broadcast_in_dim3A_815 = vector.shape_cast %broadcast_in_dim3A : vector<16xi32> to vector<16x1xi32>
      %gather3A_816 = vector.shape_cast %broadcast_in_dim3A_815 : vector<16x1xi32> to vector<16xi32>
      %gather3A_817 = tpu.dynamic_gather %get3A_811[%gather3A_816] in [0] : vector<16xf32>, vector<16xi32> -> vector<16xf32>
      %select_n3A_818 = arith.select %eq3A_814, %gather3A_817, %select_n3A_806 : vector<16xi1>, vector<16xf32>
      %get3A_819 = arith.constant 55 : i32
      %get3A_820 = arith.index_cast %get3A_819 : i32 to index
      %get3A_821 = arith.index_cast %multiple_of3A_133 : i32 to index
      %get3A_822 = tpu.vector_load %arg6[%get3A_820, %get3A_821] {strides = array<i32>} : memref<64x128xf32, #tpu.memory_space<vmem>>, vector<1x16xf32>,
      %get3A_823 = vector.shape_cast %get3A_822 : vector<1x16xf32> to vector<16xf32>
      %eq3A_824 = arith.constant 7 : i32
      %eq3A_825 = vector.broadcast %eq3A_824 : i32 to vector<16xi32>
      %eq3A_826 = arith.cmpi eq, %iota3A, %eq3A_825 : vector<16xi32>
      %broadcast_in_dim3A_827 = vector.shape_cast %broadcast_in_dim3A : vector<16xi32> to vector<16x1xi32>
      %gather3A_828 = vector.shape_cast %broadcast_in_dim3A_827 : vector<16x1xi32> to vector<16xi32>
      %gather3A_829 = tpu.dynamic_gather %get3A_823[%gather3A_828] in [0] : vector<16xf32>, vector<16xi32> -> vector<16xf32>
      %select_n3A_830 = arith.select %eq3A_826, %gather3A_829, %select_n3A_818 : vector<16xi1>, vector<16xf32>
      %get3A_831 = arith.constant 56 : i32
      %get3A_832 = arith.index_cast %get3A_831 : i32 to index
      %get3A_833 = arith.index_cast %multiple_of3A_133 : i32 to index
      %get3A_834 = tpu.vector_load %arg6[%get3A_832, %get3A_833] {strides = array<i32>} : memref<64x128xf32, #tpu.memory_space<vmem>>, vector<1x16xf32>,
      %get3A_835 = vector.shape_cast %get3A_834 : vector<1x16xf32> to vector<16xf32>
      %eq3A_836 = arith.constant 8 : i32
      %eq3A_837 = vector.broadcast %eq3A_836 : i32 to vector<16xi32>
      %eq3A_838 = arith.cmpi eq, %iota3A, %eq3A_837 : vector<16xi32>
      %broadcast_in_dim3A_839 = vector.shape_cast %broadcast_in_dim3A : vector<16xi32> to vector<16x1xi32>
      %gather3A_840 = vector.shape_cast %broadcast_in_dim3A_839 : vector<16x1xi32> to vector<16xi32>
      %gather3A_841 = tpu.dynamic_gather %get3A_835[%gather3A_840] in [0] : vector<16xf32>, vector<16xi32> -> vector<16xf32>
      %select_n3A_842 = arith.select %eq3A_838, %gather3A_841, %select_n3A_830 : vector<16xi1>, vector<16xf32>
      %get3A_843 = arith.constant 57 : i32
      %get3A_844 = arith.index_cast %get3A_843 : i32 to index
      %get3A_845 = arith.index_cast %multiple_of3A_133 : i32 to index
      %get3A_846 = tpu.vector_load %arg6[%get3A_844, %get3A_845] {strides = array<i32>} : memref<64x128xf32, #tpu.memory_space<vmem>>, vector<1x16xf32>,
      %get3A_847 = vector.shape_cast %get3A_846 : vector<1x16xf32> to vector<16xf32>
      %eq3A_848 = arith.constant 9 : i32
      %eq3A_849 = vector.broadcast %eq3A_848 : i32 to vector<16xi32>
      %eq3A_850 = arith.cmpi eq, %iota3A, %eq3A_849 : vector<16xi32>
      %broadcast_in_dim3A_851 = vector.shape_cast %broadcast_in_dim3A : vector<16xi32> to vector<16x1xi32>
      %gather3A_852 = vector.shape_cast %broadcast_in_dim3A_851 : vector<16x1xi32> to vector<16xi32>
      %gather3A_853 = tpu.dynamic_gather %get3A_847[%gather3A_852] in [0] : vector<16xf32>, vector<16xi32> -> vector<16xf32>
      %select_n3A_854 = arith.select %eq3A_850, %gather3A_853, %select_n3A_842 : vector<16xi1>, vector<16xf32>
      %get3A_855 = arith.constant 58 : i32
      %get3A_856 = arith.index_cast %get3A_855 : i32 to index
      %get3A_857 = arith.index_cast %multiple_of3A_133 : i32 to index
      %get3A_858 = tpu.vector_load %arg6[%get3A_856, %get3A_857] {strides = array<i32>} : memref<64x128xf32, #tpu.memory_space<vmem>>, vector<1x16xf32>,
      %get3A_859 = vector.shape_cast %get3A_858 : vector<1x16xf32> to vector<16xf32>
      %eq3A_860 = arith.constant 10 : i32
      %eq3A_861 = vector.broadcast %eq3A_860 : i32 to vector<16xi32>
      %eq3A_862 = arith.cmpi eq, %iota3A, %eq3A_861 : vector<16xi32>
      %broadcast_in_dim3A_863 = vector.shape_cast %broadcast_in_dim3A : vector<16xi32> to vector<16x1xi32>
      %gather3A_864 = vector.shape_cast %broadcast_in_dim3A_863 : vector<16x1xi32> to vector<16xi32>
      %gather3A_865 = tpu.dynamic_gather %get3A_859[%gather3A_864] in [0] : vector<16xf32>, vector<16xi32> -> vector<16xf32>
      %select_n3A_866 = arith.select %eq3A_862, %gather3A_865, %select_n3A_854 : vector<16xi1>, vector<16xf32>
      %get3A_867 = arith.constant 59 : i32
      %get3A_868 = arith.index_cast %get3A_867 : i32 to index
      %get3A_869 = arith.index_cast %multiple_of3A_133 : i32 to index
      %get3A_870 = tpu.vector_load %arg6[%get3A_868, %get3A_869] {strides = array<i32>} : memref<64x128xf32, #tpu.memory_space<vmem>>, vector<1x16xf32>,
      %get3A_871 = vector.shape_cast %get3A_870 : vector<1x16xf32> to vector<16xf32>
      %eq3A_872 = arith.constant 11 : i32
      %eq3A_873 = vector.broadcast %eq3A_872 : i32 to vector<16xi32>
      %eq3A_874 = arith.cmpi eq, %iota3A, %eq3A_873 : vector<16xi32>
      %broadcast_in_dim3A_875 = vector.shape_cast %broadcast_in_dim3A : vector<16xi32> to vector<16x1xi32>
      %gather3A_876 = vector.shape_cast %broadcast_in_dim3A_875 : vector<16x1xi32> to vector<16xi32>
      %gather3A_877 = tpu.dynamic_gather %get3A_871[%gather3A_876] in [0] : vector<16xf32>, vector<16xi32> -> vector<16xf32>
      %select_n3A_878 = arith.select %eq3A_874, %gather3A_877, %select_n3A_866 : vector<16xi1>, vector<16xf32>
      %get3A_879 = arith.constant 60 : i32
      %get3A_880 = arith.index_cast %get3A_879 : i32 to index
      %get3A_881 = arith.index_cast %multiple_of3A_133 : i32 to index
      %get3A_882 = tpu.vector_load %arg6[%get3A_880, %get3A_881] {strides = array<i32>} : memref<64x128xf32, #tpu.memory_space<vmem>>, vector<1x16xf32>,
      %get3A_883 = vector.shape_cast %get3A_882 : vector<1x16xf32> to vector<16xf32>
      %eq3A_884 = arith.constant 12 : i32
      %eq3A_885 = vector.broadcast %eq3A_884 : i32 to vector<16xi32>
      %eq3A_886 = arith.cmpi eq, %iota3A, %eq3A_885 : vector<16xi32>
      %broadcast_in_dim3A_887 = vector.shape_cast %broadcast_in_dim3A : vector<16xi32> to vector<16x1xi32>
      %gather3A_888 = vector.shape_cast %broadcast_in_dim3A_887 : vector<16x1xi32> to vector<16xi32>
      %gather3A_889 = tpu.dynamic_gather %get3A_883[%gather3A_888] in [0] : vector<16xf32>, vector<16xi32> -> vector<16xf32>
      %select_n3A_890 = arith.select %eq3A_886, %gather3A_889, %select_n3A_878 : vector<16xi1>, vector<16xf32>
      %get3A_891 = arith.constant 61 : i32
      %get3A_892 = arith.index_cast %get3A_891 : i32 to index
      %get3A_893 = arith.index_cast %multiple_of3A_133 : i32 to index
      %get3A_894 = tpu.vector_load %arg6[%get3A_892, %get3A_893] {strides = array<i32>} : memref<64x128xf32, #tpu.memory_space<vmem>>, vector<1x16xf32>,
      %get3A_895 = vector.shape_cast %get3A_894 : vector<1x16xf32> to vector<16xf32>
      %eq3A_896 = arith.constant 13 : i32
      %eq3A_897 = vector.broadcast %eq3A_896 : i32 to vector<16xi32>
      %eq3A_898 = arith.cmpi eq, %iota3A, %eq3A_897 : vector<16xi32>
      %broadcast_in_dim3A_899 = vector.shape_cast %broadcast_in_dim3A : vector<16xi32> to vector<16x1xi32>
      %gather3A_900 = vector.shape_cast %broadcast_in_dim3A_899 : vector<16x1xi32> to vector<16xi32>
      %gather3A_901 = tpu.dynamic_gather %get3A_895[%gather3A_900] in [0] : vector<16xf32>, vector<16xi32> -> vector<16xf32>
      %select_n3A_902 = arith.select %eq3A_898, %gather3A_901, %select_n3A_890 : vector<16xi1>, vector<16xf32>
      %get3A_903 = arith.constant 62 : i32
      %get3A_904 = arith.index_cast %get3A_903 : i32 to index
      %get3A_905 = arith.index_cast %multiple_of3A_133 : i32 to index
      %get3A_906 = tpu.vector_load %arg6[%get3A_904, %get3A_905] {strides = array<i32>} : memref<64x128xf32, #tpu.memory_space<vmem>>, vector<1x16xf32>,
      %get3A_907 = vector.shape_cast %get3A_906 : vector<1x16xf32> to vector<16xf32>
      %eq3A_908 = arith.constant 14 : i32
      %eq3A_909 = vector.broadcast %eq3A_908 : i32 to vector<16xi32>
      %eq3A_910 = arith.cmpi eq, %iota3A, %eq3A_909 : vector<16xi32>
      %broadcast_in_dim3A_911 = vector.shape_cast %broadcast_in_dim3A : vector<16xi32> to vector<16x1xi32>
      %gather3A_912 = vector.shape_cast %broadcast_in_dim3A_911 : vector<16x1xi32> to vector<16xi32>
      %gather3A_913 = tpu.dynamic_gather %get3A_907[%gather3A_912] in [0] : vector<16xf32>, vector<16xi32> -> vector<16xf32>
      %select_n3A_914 = arith.select %eq3A_910, %gather3A_913, %select_n3A_902 : vector<16xi1>, vector<16xf32>
      %get3A_915 = arith.constant 63 : i32
      %get3A_916 = arith.index_cast %get3A_915 : i32 to index
      %get3A_917 = arith.index_cast %multiple_of3A_133 : i32 to index
      %get3A_918 = tpu.vector_load %arg6[%get3A_916, %get3A_917] {strides = array<i32>} : memref<64x128xf32, #tpu.memory_space<vmem>>, vector<1x16xf32>,
      %get3A_919 = vector.shape_cast %get3A_918 : vector<1x16xf32> to vector<16xf32>
      %eq3A_920 = arith.constant 15 : i32
      %eq3A_921 = vector.broadcast %eq3A_920 : i32 to vector<16xi32>
      %eq3A_922 = arith.cmpi eq, %iota3A, %eq3A_921 : vector<16xi32>
      %broadcast_in_dim3A_923 = vector.shape_cast %broadcast_in_dim3A : vector<16xi32> to vector<16x1xi32>
      %gather3A_924 = vector.shape_cast %broadcast_in_dim3A_923 : vector<16x1xi32> to vector<16xi32>
      %gather3A_925 = tpu.dynamic_gather %get3A_919[%gather3A_924] in [0] : vector<16xf32>, vector<16xi32> -> vector<16xf32>
      %select_n3A_926 = arith.select %eq3A_922, %gather3A_925, %select_n3A_914 : vector<16xi1>, vector<16xf32>
      %swap3A_927 = arith.constant 0 : i32
      %swap3A_928 = arith.index_cast %swap3A_927 : i32 to index
      %swap3A_929 = arith.constant 48 : index
      %swap3A_930 = tpu.vector_load %arg7[%swap3A_928, %swap3A_929] {strides = array<i32>} : memref<8x64xf32, #tpu.memory_space<vmem>>, vector<1x16xf32>,
      %swap3A_931 = vector.shape_cast %swap3A_930 : vector<1x16xf32> to vector<16xf32>
      %swap3A_932 = vector.shape_cast %select_n3A_926 : vector<16xf32> to vector<1x16xf32>
      tpu.vector_store %arg7[%swap3A_928, %swap3A_929], %swap3A_932 {strides = array<i32>} : memref<8x64xf32, #tpu.memory_space<vmem>>, vector<1x16xf32>,
      "tpu.region"() ({
        %run_scoped3A = tpu.sem_alloc : memref<!tpu.dma_semaphore, #tpu.memory_space<semaphore_mem>>
        %dma_start3A = arith.constant 0 : i32
        %dma_start3A_933 = arith.constant 0 : i32
        %dma_start3A_934 = tpu.memref_slice %arg4[%arg1, %dma_start3A, %dma_start3A_933] : memref<16x8x64xf32, #tpu.memory_space<hbm>> -> memref<1x8x64xf32, #tpu.memory_space<hbm>>
        %dma_start3A_935 = tpu.memref_squeeze %dma_start3A_934 : memref<1x8x64xf32, #tpu.memory_space<hbm>> -> memref<8x64xf32, #tpu.memory_space<hbm>>
        %dma_start3A_936 = arith.constant 0 : i32
        %dma_start3A_937 = arith.constant 0 : i32
        %dma_start3A_938 = tpu.memref_slice %arg4[%arg1, %dma_start3A_936, %dma_start3A_937] : memref<16x8x64xf32, #tpu.memory_space<hbm>> -> memref<1x8x64xf32, #tpu.memory_space<hbm>>
        %dma_start3A_939 = tpu.memref_squeeze %dma_start3A_938 : memref<1x8x64xf32, #tpu.memory_space<hbm>> -> memref<8x64xf32, #tpu.memory_space<hbm>>
        tpu.enqueue_dma source(%arg7 : memref<8x64xf32, #tpu.memory_space<vmem>>) target(%dma_start3A_939 : memref<8x64xf32, #tpu.memory_space<hbm>>) target_semaphore(%run_scoped3A : memref<!tpu.dma_semaphore, #tpu.memory_space<semaphore_mem>>)
        %dma_wait3A = arith.constant 0 : i32
        %dma_wait3A_940 = arith.constant 0 : i32
        %dma_wait3A_941 = tpu.memref_slice %arg4[%arg1, %dma_wait3A, %dma_wait3A_940] : memref<16x8x64xf32, #tpu.memory_space<hbm>> -> memref<1x8x64xf32, #tpu.memory_space<hbm>>
        %dma_wait3A_942 = tpu.memref_squeeze %dma_wait3A_941 : memref<1x8x64xf32, #tpu.memory_space<hbm>> -> memref<8x64xf32, #tpu.memory_space<hbm>>
        %dma_wait3A_943 = arith.constant 0 : i32
        %dma_wait3A_944 = arith.constant 0 : i32
        %dma_wait3A_945 = tpu.memref_slice %arg4[%arg1, %dma_wait3A_943, %dma_wait3A_944] : memref<16x8x64xf32, #tpu.memory_space<hbm>> -> memref<1x8x64xf32, #tpu.memory_space<hbm>>
        %dma_wait3A_946 = tpu.memref_squeeze %dma_wait3A_945 : memref<1x8x64xf32, #tpu.memory_space<hbm>> -> memref<8x64xf32, #tpu.memory_space<hbm>>
        tpu.wait_dma2 semaphore(%run_scoped3A : memref<!tpu.dma_semaphore, #tpu.memory_space<semaphore_mem>>) src(%arg7 : memref<8x64xf32, #tpu.memory_space<vmem>>) dst(%dma_wait3A_946 : memref<8x64xf32, #tpu.memory_space<hbm>>)
        tpu.yield
      }) : () -> ()
    } else {
    }
    return
  }
}

</mosaic_0001>

<sc_bundles>
// kernel: kernel.3.cloned.1.call-start
scs
__scs_entry_jumppad:
0x0: {  	(pc) =	sbr.rel $0x88, $3  }
0x1: {  	(tag) =	ssettag $0x0;
	lr =	simm.s32 $0x1  }
0x2: {  	[smem:$0x3F9E] =	sst lr;
	_ =	strace $0xD0000000  }
0x3: {  	_ = 	snop  }
0x4: {  	_ = 	snop  }
0x5: {  	_ = 	snop  }
0x6: {  	_ = 	snop  }
0x7: {  	_ = 	snop  }
__scs_overlays_trampoline_lowered:
0x8: {  	[smem:$0x3FAD] =	sst s0  }
0x9: {  	[smem:$0x3FAE] =	sst s1  }
0xa: {  	[smem:$0x3FAF] =	sst s2  }
0xb: {  	[smem:$0x3FB0] =	sst s3  }
0xc: {  	[smem:$0x3FB1] =	sst s4  }
0xd: {  	[smem:$0x3FB2] =	sst s5  }
0xe: {  	[smem:$0x3FB3] =	sst s6  }
0xf: {  	[smem:$0x3FB4] =	sst s7  }
0x10: {  	[smem:$0x3FB5] =	sst s8  }
0x11: {  	[smem:$0x3FB6] =	sst s9;
	s0 =	simm.s32 @!p0 $0x0  }
0x12: {  	s1 =	sld [smem:$0x3F9C];
	s0 =	simm.s32 @p0 $0x1  }
0x13: {  	[smem:$0x3FB7] =	sst s0;
	s0 =	simm.s32 @!p1 $0x0  }
0x14: {  	s2 =	sld [smem:$0x3F9B];
	s0 =	simm.s32 @p1 $0x1  }
0x15: {  	[smem:$0x3FB8] =	sst s0;
	s0 =	simm.s32 @!p2 $0x0  }
0x16: {  	s3 =	sld [smem:$0x3FDB];
	s0 =	simm.s32 @p2 $0x1  }
0x17: {  	s4 =	simm.s32 $0x1BF5;
	[smem:$0x3FBA] =	sst s0  }
0x18: {  	s0 =	sld [smem:$0x3F9D];
	_ =	swait.ge [sflag:s4], $0x0  }
0x19: {  	s7 =	sld [smem:$0x3F9E]  }
0x1a: {  	s8 =	sadd.s32 $0xFFFFE003, lr  }
0x1b: {  	s9 =	sadd.s32 $0xFFFFFEF7, lr;
	s5 =	simm.s32 $0xFFFFFFFF;
	p2 =	slt.u32 s8, $0xFFFFF086  }
0x1c: {  	p1 =	slt.u32 s9, $0xF7A;
	s5 =	simm.s32 @!p2 $0x0  }
0x1d: {  	s5 =	simm.s32 @p1 $0x1;
	p0 =	seq.s32 s7, s2  }
0x1e: {  	s7 =	smul.u32 @!p0 $0xF7A, s2;
	p2 =	seq.s32 @!p0 s5, $0x0  }
0x1f: {  	s9 =	smul.u32 $0xF7A, s1;
	s8 =	simm.s32 @!p0 $0x1BF5;
	p2 =	por !p2, p0  }
0x20: {  	[sflag:s8] =	ssyncset.s32 @!p0 $0xFFFFF086;
	s6 =	sadd.s32 @!p0 s3, s7;
	s7 =	simm.s32 @!p0 $0x108  }
0x21: {  	s3 =	sadd.s32 s3, s9;
	s6 =	sadd.s32 @!p0 $0x88, s6;
	s7 =	simm.s32 @p2 $0x1082  }
0x22: {  	[simem:s7], [sflag:s8] =	dma.local @!p0 [hbm:s6], $0xF7A  }
0x23: {  	s9 =	sor.u32 $0xD0000000, s2;
	s6 =	simm.s32 $0x108;
	_ =	swait.ge @!p0 [sflag:s8], $0x0  }
0x24: {  	s3 =	sadd.s32 $0x88, s3;
	s6 =	simm.s32 @!p1 $0x1082;
	[sflag:s4] =	ssyncset.s32 $0xFFFFF086  }
0x25: {  	[simem:s6], [sflag:s4] =	dma.local [hbm:s3], $0xF7A  }
0x26: {  	[smem:$0x3F9E] =	sst s1;
	(tag) =	ssettag s2;
	_ =	strace s9  }
0x27: {  	s1 =	sld [smem:$0x3FAE]  }
0x28: {  	s2 =	sld [smem:$0x3FAF]  }
0x29: {  	s4 =	sld [smem:$0x3FB1]  }
0x2a: {  	p0 =	seq.s32 s5, $0x0;
	s5 =	sld [smem:$0x3FB2]  }
0x2b: {  	s6 =	sld [smem:$0x3FB3]  }
0x2c: {  	s7 =	sld [smem:$0x3FB4]  }
0x2d: {  	s3 =	simm.s32 $0x108;
	s8 =	sld [smem:$0x3FB5]  }
0x2e: {  	s3 =	simm.s32 @!p0 $0x1082;
	s9 =	sld [smem:$0x3FB6]  }
0x2f: {  	lr =	sadd.s32 s0, s3;
	s0 =	sld [smem:$0x3FAD]  }
0x30: {  	s3 =	sld [smem:$0x3FB0]  }
0x31: {  	[smem:$0x3FB9] =	sst s10  }
0x32: {  	s10 =	sld [smem:$0x3FB7];
	_ =	sdelay $0x3  }
0x33: {  	p0 =	seq.s32 s10, $0x1;
	s10 =	sld [smem:$0x3FB9];
	_ =	sdelay $0x3  }
0x34: {  	[smem:$0x3FB9] =	sst s10  }
0x35: {  	s10 =	sld [smem:$0x3FB8];
	_ =	sdelay $0x3  }
0x36: {  	p1 =	seq.s32 s10, $0x1;
	s10 =	sld [smem:$0x3FB9];
	_ =	sdelay $0x3  }
0x37: {  	[smem:$0x3FB9] =	sst s10  }
0x38: {  	s10 =	sld [smem:$0x3FBA]  }
0x39: {  	_ = 	snop;
	(pc) =	sbr.ind lr, $3  }
0x3a: {  	_ = 	snop  }
0x3b: {  	_ = 	snop  }
0x3c: {  	p2 =	seq.s32 s10, $0x1;
	s10 =	sld [smem:$0x3FB9]  }
0x3d: {  	_ =	shalt  }
0x3e: {  	_ =	shalt  }
0x3f: {  	_ =	shalt  }
0x40: {  	_ =	shalt  }
0x41: {  	_ =	shalt  }
0x42: {  	_ =	shalt  }
0x43: {  	_ =	shalt  }
0x44: {  	_ =	shalt  }
0x45: {  	_ =	shalt  }
0x46: {  	_ =	shalt  }
0x47: {  	_ =	shalt  }
0x48: {  	_ =	shalt  }
0x49: {  	_ =	shalt  }
0x4a: {  	_ =	shalt  }
0x4b: {  	_ =	shalt  }
0x4c: {  	_ =	shalt  }
0x4d: {  	_ =	shalt  }
0x4e: {  	_ =	shalt  }
0x4f: {  	_ =	shalt  }
0x50: {  	_ =	shalt  }
0x51: {  	_ =	shalt  }
0x52: {  	_ =	shalt  }
0x53: {  	_ =	shalt  }
0x54: {  	_ =	shalt  }
0x55: {  	_ =	shalt  }
0x56: {  	_ =	shalt  }
0x57: {  	_ =	shalt  }
0x58: {  	_ =	shalt  }
0x59: {  	_ =	shalt  }
0x5a: {  	_ =	shalt  }
0x5b: {  	_ =	shalt  }
0x5c: {  	_ =	shalt  }
0x5d: {  	_ =	shalt  }
0x5e: {  	_ =	shalt  }
0x5f: {  	_ =	shalt  }
0x60: {  	_ =	shalt  }
0x61: {  	_ =	shalt  }
0x62: {  	_ =	shalt  }
0x63: {  	_ =	shalt  }
0x64: {  	_ =	shalt  }
0x65: {  	_ =	shalt  }
0x66: {  	_ =	shalt  }
0x67: {  	_ =	shalt  }
0x68: {  	_ =	shalt  }
0x69: {  	_ =	shalt  }
0x6a: {  	_ =	shalt  }
0x6b: {  	_ =	shalt  }
0x6c: {  	_ =	shalt  }
0x6d: {  	_ =	shalt  }
0x6e: {  	_ =	shalt  }
0x6f: {  	_ =	shalt  }
0x70: {  	_ =	shalt  }
0x71: {  	_ =	shalt  }
0x72: {  	_ =	shalt  }
0x73: {  	_ =	shalt  }
0x74: {  	_ =	shalt  }
0x75: {  	_ =	shalt  }
0x76: {  	_ =	shalt  }
0x77: {  	_ =	shalt  }
0x78: {  	_ =	shalt  }
0x79: {  	_ =	shalt  }
0x7a: {  	_ =	shalt  }
0x7b: {  	_ =	shalt  }
0x7c: {  	_ =	shalt  }
0x7d: {  	_ =	shalt  }
0x7e: {  	_ =	shalt  }
0x7f: {  	_ =	shalt  }
0x80: {  	_ =	shalt  }
0x81: {  	_ =	shalt  }
0x82: {  	_ =	shalt  }
0x83: {  	_ =	shalt  }
0x84: {  	_ =	shalt  }
0x85: {  	_ =	shalt  }
0x86: {  	_ =	shalt  }
0x87: {  	_ =	shalt  }
.Lfunc_end0:
.L_simem_size_0:
called_computation_lowered:
.L_overlay_start_0:
0x88: {  	s2 =	sld [smem:$0x3FD9]  }
0x89: {  	s3 =	sld [smem:$0x3FFE];
	_ =	sdelay $0x1  }
0x8a: {  	s1 =	srdreg.scid  }
0x8b: {  	s0 =	sand.u32 $0x1, s1  }
0x8c: {  	s17 =	sshll.u32 s0, $0xA;
	s2 =	sadd.s32 s3, s2  }
0x8d: {  	s2 =	sadd.s32 s2, s17  }
0x8e: {  	[smem:$0x3FC5] =	sst s2  }
0x8f: {  	_ = 	snop  }
0x90: {  	s2 =	sld [smem:$0x3FC9]  }
0x91: {  	s18 =	sld [smem:$0x3FD0];
	(tm) =	ssettm $0x1  }
0x92: {  	s4 =	sld [smem:$0x3FFB];
	_ =	sdelay $0x3  }
0x93: {  	_ =	strace s4  }
0x94: {  	s4 =	sld [smem:$0x3FFC];
	_ =	sdelay $0x3  }
0x95: {  	_ =	strace s4  }
0x96: {  	s4 =	sld [smem:$0x3FFD];
	_ =	sdelay $0x3  }
0x97: {  	_ =	strace s4  }
0x98: {  	_ =	strace $0x8FFFFFFF  }
0x99: {  	s19 =	sld [smem:$0x3FDB];
	_ =	sdelay $0x1  }
0x9a: {  	s5 =	simm.s32 $_scs_section_size  }
0x9b: {  	s6 =	simm.s32 $_size__tile_overlayer_lowered;
	s7 =	simm.s32 $_tile_overlayer_lowered  }
0x9c: {  	s22 =	simm.s32 $0x1BFF;
	s21 =	sshll.u32 s7, $0x1;
	s4 =	sadd.s32 s5, s19  }
0x9d: {  	s8 =	simm.s32 $0x0;
	s20 =	sshll.u32 s6, $0x1;
	s6 =	sadd.s32 s21, s4  }
0x9e: {  	[timem:s8], [sflag:s22] =	dma.local [hbm:s6], s20  }
0x9f: {  	_ =	swait.ge [sflag:s22], s20  }
0xa0: {  	s5 =	ssub.s32 $0x0, s20;
	[sflag:s22] =	ssyncset.done $0x0  }
0xa1: {  	[sflag:s22] =	ssyncadd.s32 s5;
	_ =	sdelay $0x1  }
0xa2: {  	s23 =	simm.s32 $0x1B8B  }
0xa3: {  	_ =	swait.ge [sflag:s23], $0x1  }
0xa4: {  	[sflag:s23] =	ssyncset.done $0x0  }
0xa5: {  	s25 =	simm.s32 $0x1B8E;
	s24 =	sld [smem:$0x3FFE];
	[sflag:s23] =	ssyncadd.s32 $0xFFFFFFFF  }
0xa6: {  	s26 =	simm.s32 $execute0_lowered;
	[smem:$0x3FD2] =	sst s25  }
0xa7: {  	s6 =	sshll.u32 s26, $0x1;
	_ =	strace $0x80000046;
	[dreg:$0x1] =	wrdreg $0xFFFFFFFF  }
0xa8: {  	s28 =	simm.s32 $_size_execute0_lowered;
	s4 =	sadd.s32 s4, s6;
	[dreg:$0x0] =	wrdreg $0x0  }
0xa9: {  	s6 =	sshll.u32 s28, $0x1;
	[dreg:$0x2] =	wrdreg s4  }
0xaa: {  	[dreg:$0x3] =	wrdreg s6  }
0xab: {  	[dreg:$0x4] =	wrdreg $0xC0  }
0xac: {  	_ =	task [dreg:s8], $0x5FFFF  }
0xad: {  	[dreg:$0x1] =	wrdreg $0xFFFFFFFF  }
0xae: {  	[dreg:$0x0] =	wrdreg $0x60  }
0xaf: {  	[dreg:$0x2] =	wrdreg s2  }
0xb0: {  	[dreg:$0x3] =	wrdreg s18  }
0xb1: {  	[dreg:$0x4] =	wrdreg s24  }
0xb2: {  	[dreg:$0x5] =	wrdreg $0x9  }
0xb3: {  	_ =	task.clear_ibuf [dreg:s8], $0x6FFFF;
	_ =	strace $0x90000046  }
0xb4: {  	s29 =	simm.s32 $0x9;
	_ =	strace $0x80000048  }
0xb5: {  	_ =	swait.ge [sflag:s29], $0x1  }
0xb6: {  	[sflag:s29] =	ssyncadd.s32 $0xFFFFFFFF  }
0xb7: {  	_ =	strace $0x90000048  }
0xb8: {  	_ =	sfence  }
0xb9: {  	s30 =	sld [smem:$0x0];
	_ =	sdelay $0x2  }
0xba: {  	s31 =	sshll.u32 s1, $0xD;
	s1 =	sshrl.u32 s1, $0x2  }
0xbb: {  	s3 =	sand.u32 $0x4000, s31;
	s1 =	sadd.s32 s1, s30  }
0xbc: {  	s0 =	sor.u32 s3, s0;
	s1 =	sshll.u32 s1, $0x11  }
0xbd: {  	s0 =	sor.u32 s1, s0  }
0xbe: {  	s0 =	sadd.s32 $0x8F2B, s0  }
0xbf: {  	[sflag:s0] =	ssyncadd.remote.s32 $0x1  }
0xc0: {  	_ =	sfence.sel $0xFFFF  }
0xc1: {  	[dreg:$0x0] =	wrdreg $0xFFFFFFFF;
	(pc) =	sbr.abs _section_cstart, $3  }
0xc2: {  	[dreg:$0x1] =	wrdreg $0xFFFFFFFF  }
0xc3: {  	_ =	task.clear_ibuf [dreg:s8], $0x2FFFF;
	_ =	strace $0x9FFFFFFF  }
0xc4: {  	(tm) =	ssettm $0x7FFFFFFF  }
0xc5: {  	_ =	shalt  }
tec
execute0_lowered:
.L_overlay_start_1:
0x0: {  	(tag) =	ssettag $0x1  }
0x1: {  	s0 =	srdreg.scid  }
0x2: {  	s0 =	sand.u32 $0x1, s0  }
0x3: {  	s1 =	stileid.u32;
	p0 =	seq.s32 s0, $0x1  }
0x4: {  	p1 =	sgt.u32 @!p0 s1, $0x8  }
0x5: {  	p0 =	por p0, p1  }
.Ltmp0:
0x6: {  	s5 =	rddreg [dreg:$0x0];
	(pc) =	sbr.rel @p0 .LBB2_2-.Ltmp0, $4  }
0x7: {  	s4 =	rddreg [dreg:$0x1]  }
0x8: {  	s2 =	rddreg [dreg:$0x2];
	s3 =	simm.s32 $0x0  }
0x9: {  	[smem:$0x7FF] =	sst s3  }
0xa: {  	s0 =	rddreg [dreg:$0x3];
	_ =	strace $0x80000047  }
0xb: {  	[tilespmem:s3], [sflag:$0x1] =	stream.linear.gather [hbm4b:s4+s3], $0x80, $0x38;
	[tilespmem:$0x2480] =	vst v63  }
0xc: {  	s4 =	simm.s32 $0x1  }
0xd: {  	_ =	swait.ge [sflag:s4], $0x80  }
0xe: {  	[sflag:s4] =	ssyncset.done $0x0  }
0xf: {  	[sflag:s4] =	ssyncadd.s32 $0xFFFFFF80  }
0x10: {  	v0 =	vld [tilespmem:$0x0];
	_ =	sdelay $0x4  }
0x11: {  	(v2sf) =	vpush v0, $0xB  }
0x12: {  	(v2sf) =	vpush v0, $0xA  }
0x13: {  	(v2sf) =	vpush v0, $0x9  }
0x14: {  	(v2sf) =	vpush v0, $0x8  }
0x15: {  	(v2sf) =	vpush v0, $0x7  }
0x16: {  	(v2sf) =	vpush v0, $0x6  }
0x17: {  	(v2sf) =	vpush v0, $0x5  }
0x18: {  	(v2sf) =	vpush v0, $0x4  }
0x19: {  	(v2sf) =	vpush v0, $0x3  }
0x1a: {  	(v2sf) =	vpush v0, $0x2  }
0x1b: {  	(v2sf) =	vpush v0, $0x1  }
0x1c: {  	(v2sf) =	vpush v0, $0x0;
	_ =	sdelay $0x3  }
0x1d: {  	s6 =	spop (v2sf)  }
0x1e: {  	s7 =	spop (v2sf)  }
0x1f: {  	s8 =	spop (v2sf)  }
0x20: {  	s9 =	spop (v2sf)  }
0x21: {  	s10 =	spop (v2sf)  }
0x22: {  	s11 =	spop (v2sf)  }
0x23: {  	s12 =	spop (v2sf)  }
0x24: {  	s13 =	spop (v2sf)  }
0x25: {  	s14 =	spop (v2sf)  }
0x26: {  	s15 =	spop (v2sf)  }
0x27: {  	s16 =	spop (v2sf)  }
0x28: {  	p0 =	seq.s32 s1, $0x1;
	s17 =	spop (v2sf)  }
0x29: {  	s17 =	smov.u32 @p0 s16;
	p0 =	seq.s32 s1, $0x2  }
0x2a: {  	p1 =	seq.s32 s1, $0x3;
	s29 =	smul.u32 $0x56, s1;
	s17 =	smov.u32 @p0 s15  }
0x2b: {  	p0 =	seq.s32 s1, $0x4;
	s17 =	smov.u32 @p1 s14  }
0x2c: {  	s30 =	sshrl.u32 s29, $0x8;
	p1 =	seq.s32 s1, $0x5;
	s17 =	smov.u32 @p0 s13  }
0x2d: {  	s31 =	smul.u32 $0x3, s30;
	p0 =	seq.s32 s1, $0x6;
	s17 =	smov.u32 @p1 s12  }
0x2e: {  	p1 =	seq.s32 s1, $0x7;
	s17 =	smov.u32 @p0 s11  }
0x2f: {  	s14 =	ssub.s32 s1, s31;
	p0 =	seq.s32 s1, $0x8;
	s17 =	smov.u32 @p1 s10  }
0x30: {  	p1 =	seq.s32 s14, $0x1;
	s17 =	smov.u32 @p0 s9  }
0x31: {  	s8 =	smov.u32 @p1 s7;
	s15 =	sand.u32 $0x7F, s17  }
0x32: {  	s9 =	sshra.s32 s17, $0x1F;
	p0 =	slt.s32 s17, $0x1;
	p4 =	sne.s32 s15, $0x0  }
0x33: {  	p1 =	seq.s32 s14, $0x2;
	s16 =	sshrl.u32 s9, $0x19;
	p0 =	por !p0, !p4  }
0x34: {  	s9 =	simm.s32 $0x1;
	s7 =	sadd.s32 s16, s17;
	p0 =	por !p0, !p0  }
0x35: {  	s8 =	smov.u32 @p1 s6;
	s18 =	sshra.s32 s7, $0x7;
	s9 =	simm.s32 @!p0 $0x0  }
0x36: {  	s19 =	smul.u32 $0x61C000, s8;
	s6 =	ssub.s32 s18, s9  }
0x37: {  	s20 =	sshll.u32 s6, $0xA  }
0x38: {  	s7 =	sadd.s32 s19, s20  }
0x39: {  	s21 =	simm.s32 $0x400;
	s22 =	simm.s32 $0xC3800;
	s7 =	sshrl.u32 s7, $0x3  }
0x3a: {  	s23 =	simm.s32 $0x80;
	s6 =	sshll.u32 s6, $0x7;
	s5 =	sadd.s32 s5, s7  }
0x3b: {  	[tilespmem:s23], [sflag:$0x1] =	stream.strided.gather [hbm4b:s5+s21], $0x2000, s22, s21, $0x38;
	[tilespmem:$0x2480] =	vst v63  }
0x3c: {  	s24 =	ssub.s32 s17, s6;
	p0 =	sne.s32 s17, s6;
	s5 =	simm.s32 $0x1  }
0x3d: {  	s25 =	sshra.s32 s24, $0x1F;
	s5 =	simm.s32 @!p0 $0x0  }
0x3e: {  	s26 =	sand.u32 $0xF, s17;
	s5 =	sor.u32 s5, s25  }
0x3f: {  	p6 =	sne.s32 s26, $0x0;
	p5 =	sne.s32 s5, $0x1  }
0x40: {  	s28 =	sshrl.u32 s25, $0x1C;
	p0 =	por !p6, !p5  }
0x41: {  	s6 =	simm.s32 $0x1;
	s5 =	sadd.s32 s28, s24;
	p0 =	por !p0, !p0  }
0x42: {  	_ =	swait.ge [sflag:s4], $0x2000;
	s5 =	sshrl.u32 s5, $0x4;
	s6 =	simm.s32 @!p0 $0x0  }
0x43: {  	[sflag:s4] =	ssyncset.done $0x0;
	s5 =	ssub.s32 s5, s6  }
0x44: {  	[sflag:s4] =	ssyncadd.s32 $0xFFFFE000;
	s5 =	sshll.u32 s5, $0x4  }
0x45: {  	v1 =	vld [tilespmem:s5+$0x80]  }
0x46: {  	s29 =	ssub.s32 s24, s5;
	v2 =	vld [tilespmem:s5+$0x100]  }
0x47: {  	v3 =	vld [tilespmem:s5+$0x180];
	v11 =	vmov s29  }
0x48: {  	v4 =	vld [tilespmem:s5+$0x200];
	v0 =	vand.u32 $0xF, v11  }
0x49: {  	v5 =	vld [tilespmem:s5+$0x280];
	v0 =	vbroadcast v0, $0x0  }
0x4a: {  	v6 =	vld [tilespmem:s5+$0x300]  }
0x4b: {  	v7 =	vld [tilespmem:s5+$0x380];
	v1 =	vperm.xlane v1, v0;
	v2 =	vperm.xlane v2, v0  }
0x4c: {  	vm0 =	vmmov $0x1;
	v8 =	vld [tilespmem:s5+$0x400];
	v3 =	vperm.xlane v3, v0  }
0x4d: {  	vm1 =	vmmov $0x3;
	v13 =	vld [tilespmem:s5+$0x480];
	v12 =	vperm.xlane v4, v0;
	v1 =	vsel vm0, v1, v2  }
0x4e: {  	vm2 =	vmmov $0x7;
	v15 =	vld [tilespmem:s5+$0x500];
	v14 =	vperm.xlane v5, v0;
	v1 =	vsel vm1, v1, v3  }
0x4f: {  	vm3 =	vmmov $0xf;
	v17 =	vld [tilespmem:s5+$0x580];
	v16 =	vperm.xlane v6, v0;
	v1 =	vsel vm2, v1, v12  }
0x50: {  	vm4 =	vmmov $0x1f;
	v19 =	vld [tilespmem:s5+$0x600];
	v18 =	vperm.xlane v7, v0;
	v1 =	vsel vm3, v1, v14  }
0x51: {  	vm5 =	vmmov $0x3f;
	v21 =	vld [tilespmem:s5+$0x680];
	v20 =	vperm.xlane v8, v0;
	v1 =	vsel vm4, v1, v16  }
0x52: {  	vm6 =	vmmov $0x7f;
	v23 =	vld [tilespmem:s5+$0x700];
	v22 =	vperm.xlane v13, v0;
	v1 =	vsel vm5, v1, v18  }
0x53: {  	vm7 =	vmmov $0xff;
	v25 =	vld [tilespmem:s5+$0x780];
	v24 =	vperm.xlane v15, v0;
	v1 =	vsel vm6, v1, v20  }
0x54: {  	vm8 =	vmmov $0x1ff;
	v27 =	vld [tilespmem:s5+$0x800];
	v26 =	vperm.xlane v17, v0;
	v1 =	vsel vm7, v1, v22  }
0x55: {  	vm9 =	vmmov $0x3ff;
	v28 =	vperm.xlane v19, v0;
	v1 =	vsel vm8, v1, v24  }
0x56: {  	vm10 =	vmmov $0x7ff;
	v29 =	vperm.xlane v21, v0;
	v1 =	vsel vm9, v1, v26  }
0x57: {  	vm11 =	vmmov $0xfff;
	v30 =	vperm.xlane v23, v0;
	v1 =	vsel vm10, v1, v28  }
0x58: {  	vm12 =	vmmov $0x1fff;
	v31 =	vperm.xlane v25, v0;
	v1 =	vsel vm11, v1, v29  }
0x59: {  	vm13 =	vmmov $0x3fff;
	v32 =	vperm.xlane v27, v0;
	v1 =	vsel vm12, v1, v30  }
0x5a: {  	vm14 =	vmmov $0x7fff;
	v1 =	vsel vm13, v1, v31  }
0x5b: {  	v1 =	vsel vm14, v1, v32  }
0x5c: {  	[tilespmem:$0x2080] =	vst v1  }
0x5d: {  	v1 =	vld [tilespmem:s5+$0x880]  }
0x5e: {  	v33 =	vld [tilespmem:s5+$0x900]  }
0x5f: {  	v34 =	vld [tilespmem:s5+$0x980]  }
0x60: {  	v35 =	vld [tilespmem:s5+$0xA00]  }
0x61: {  	v36 =	vld [tilespmem:s5+$0xA80]  }
0x62: {  	v37 =	vld [tilespmem:s5+$0xB00]  }
0x63: {  	v38 =	vld [tilespmem:s5+$0xB80];
	v1 =	vperm.xlane v1, v0;
	v2 =	vperm.xlane v33, v0  }
0x64: {  	v39 =	vld [tilespmem:s5+$0xC00];
	v3 =	vperm.xlane v34, v0  }
0x65: {  	v41 =	vld [tilespmem:s5+$0xC80];
	v40 =	vperm.xlane v35, v0;
	v1 =	vsel vm0, v1, v2  }
0x66: {  	v43 =	vld [tilespmem:s5+$0xD00];
	v42 =	vperm.xlane v36, v0;
	v1 =	vsel vm1, v1, v3  }
0x67: {  	v45 =	vld [tilespmem:s5+$0xD80];
	v44 =	vperm.xlane v37, v0;
	v1 =	vsel vm2, v1, v40  }
0x68: {  	v47 =	vld [tilespmem:s5+$0xE00];
	v46 =	vperm.xlane v38, v0;
	v1 =	vsel vm3, v1, v42  }
0x69: {  	v49 =	vld [tilespmem:s5+$0xE80];
	v48 =	vperm.xlane v39, v0;
	v1 =	vsel vm4, v1, v44  }
0x6a: {  	v51 =	vld [tilespmem:s5+$0xF00];
	v50 =	vperm.xlane v41, v0;
	v1 =	vsel vm5, v1, v46  }
0x6b: {  	v53 =	vld [tilespmem:s5+$0xF80];
	v52 =	vperm.xlane v43, v0;
	v1 =	vsel vm6, v1, v48  }
0x6c: {  	v55 =	vld [tilespmem:s5+$0x1000];
	v54 =	vperm.xlane v45, v0;
	v1 =	vsel vm7, v1, v50  }
0x6d: {  	v56 =	vperm.xlane v47, v0;
	v1 =	vsel vm8, v1, v52  }
0x6e: {  	v57 =	vperm.xlane v49, v0;
	v1 =	vsel vm9, v1, v54  }
0x6f: {  	v58 =	vperm.xlane v51, v0;
	v1 =	vsel vm10, v1, v56  }
0x70: {  	v59 =	vperm.xlane v53, v0;
	v1 =	vsel vm11, v1, v57  }
0x71: {  	v60 =	vperm.xlane v55, v0;
	v1 =	vsel vm12, v1, v58  }
0x72: {  	v1 =	vsel vm13, v1, v59  }
0x73: {  	v1 =	vsel vm14, v1, v60  }
0x74: {  	[tilespmem:$0x2090] =	vst v1  }
0x75: {  	v1 =	vld [tilespmem:s5+$0x1080]  }
0x76: {  	v61 =	vld [tilespmem:s5+$0x1100]  }
0x77: {  	v62 =	vld [tilespmem:s5+$0x1180]  }
0x78: {  	v63 =	vld [tilespmem:s5+$0x1200]  }
0x79: {  	v12 =	vld [tilespmem:s5+$0x1280]  }
0x7a: {  	v13 =	vld [tilespmem:s5+$0x1300]  }
0x7b: {  	v14 =	vld [tilespmem:s5+$0x1380];
	v1 =	vperm.xlane v1, v0;
	v2 =	vperm.xlane v61, v0  }
0x7c: {  	v15 =	vld [tilespmem:s5+$0x1400];
	v3 =	vperm.xlane v62, v0  }
0x7d: {  	v17 =	vld [tilespmem:s5+$0x1480];
	v16 =	vperm.xlane v63, v0;
	v1 =	vsel vm0, v1, v2  }
0x7e: {  	v19 =	vld [tilespmem:s5+$0x1500];
	v18 =	vperm.xlane v12, v0;
	v1 =	vsel vm1, v1, v3  }
0x7f: {  	v21 =	vld [tilespmem:s5+$0x1580];
	v20 =	vperm.xlane v13, v0;
	v1 =	vsel vm2, v1, v16  }
0x80: {  	v23 =	vld [tilespmem:s5+$0x1600];
	v22 =	vperm.xlane v14, v0;
	v1 =	vsel vm3, v1, v18  }
0x81: {  	v25 =	vld [tilespmem:s5+$0x1680];
	v24 =	vperm.xlane v15, v0;
	v1 =	vsel vm4, v1, v20  }
0x82: {  	v27 =	vld [tilespmem:s5+$0x1700];
	v26 =	vperm.xlane v17, v0;
	v1 =	vsel vm5, v1, v22  }
0x83: {  	v29 =	vld [tilespmem:s5+$0x1780];
	v28 =	vperm.xlane v19, v0;
	v1 =	vsel vm6, v1, v24  }
0x84: {  	v31 =	vld [tilespmem:s5+$0x1800];
	v30 =	vperm.xlane v21, v0;
	v1 =	vsel vm7, v1, v26  }
0x85: {  	v32 =	vperm.xlane v23, v0;
	v1 =	vsel vm8, v1, v28  }
0x86: {  	v33 =	vperm.xlane v25, v0;
	v1 =	vsel vm9, v1, v30  }
0x87: {  	v34 =	vperm.xlane v27, v0;
	v1 =	vsel vm10, v1, v32  }
0x88: {  	v35 =	vperm.xlane v29, v0;
	v1 =	vsel vm11, v1, v33  }
0x89: {  	v36 =	vperm.xlane v31, v0;
	v1 =	vsel vm12, v1, v34  }
0x8a: {  	v1 =	vsel vm13, v1, v35  }
0x8b: {  	v1 =	vsel vm14, v1, v36  }
0x8c: {  	[tilespmem:$0x20A0] =	vst v1  }
0x8d: {  	v1 =	vld [tilespmem:s5+$0x1880]  }
0x8e: {  	v37 =	vld [tilespmem:s5+$0x1900]  }
0x8f: {  	v38 =	vld [tilespmem:s5+$0x1980]  }
0x90: {  	v39 =	vld [tilespmem:s5+$0x1A00]  }
0x91: {  	v40 =	vld [tilespmem:s5+$0x1A80]  }
0x92: {  	v41 =	vld [tilespmem:s5+$0x1B00]  }
0x93: {  	v42 =	vld [tilespmem:s5+$0x1B80];
	v1 =	vperm.xlane v1, v0;
	v2 =	vperm.xlane v37, v0  }
0x94: {  	v43 =	vld [tilespmem:s5+$0x1C00];
	v3 =	vperm.xlane v38, v0  }
0x95: {  	v45 =	vld [tilespmem:s5+$0x1C80];
	v44 =	vperm.xlane v39, v0;
	v1 =	vsel vm0, v1, v2  }
0x96: {  	v47 =	vld [tilespmem:s5+$0x1D00];
	v46 =	vperm.xlane v40, v0;
	v1 =	vsel vm1, v1, v3  }
0x97: {  	v49 =	vld [tilespmem:s5+$0x1D80];
	v48 =	vperm.xlane v41, v0;
	v1 =	vsel vm2, v1, v44  }
0x98: {  	v51 =	vld [tilespmem:s5+$0x1E00];
	v50 =	vperm.xlane v42, v0;
	v1 =	vsel vm3, v1, v46  }
0x99: {  	v53 =	vld [tilespmem:s5+$0x1E80];
	v52 =	vperm.xlane v43, v0;
	v1 =	vsel vm4, v1, v48  }
0x9a: {  	v55 =	vld [tilespmem:s5+$0x1F00];
	v54 =	vperm.xlane v45, v0;
	v1 =	vsel vm5, v1, v50  }
0x9b: {  	v57 =	vld [tilespmem:s5+$0x1F80];
	v56 =	vperm.xlane v47, v0;
	v1 =	vsel vm6, v1, v52  }
0x9c: {  	v59 =	vld [tilespmem:s5+$0x2000];
	v58 =	vperm.xlane v49, v0;
	v1 =	vsel vm7, v1, v54  }
0x9d: {  	v60 =	vperm.xlane v51, v0;
	v1 =	vsel vm8, v1, v56  }
0x9e: {  	v61 =	vperm.xlane v53, v0;
	v1 =	vsel vm9, v1, v58  }
0x9f: {  	v62 =	vperm.xlane v55, v0;
	v1 =	vsel vm10, v1, v60  }
0xa0: {  	v63 =	vperm.xlane v57, v0;
	v1 =	vsel vm11, v1, v61  }
0xa1: {  	v0 =	vperm.xlane v59, v0;
	v1 =	vsel vm12, v1, v62  }
0xa2: {  	v1 =	vsel vm13, v1, v63  }
0xa3: {  	s30 =	sshll.u32 s1, $0x7;
	v0 =	vsel vm14, v1, v0  }
0xa4: {  	s2 =	sadd.s32 s2, s30;
	s31 =	simm.s32 $0x2080;
	[tilespmem:$0x20B0] =	vst v0  }
0xa5: {  	[hbm4b:s2+s3] =	stream.linear.scatter [tilespmem:s31], [sflag:$0x1], $0x400, $0x38;
	[tilespmem:$0x2480] =	vst v63  }
0xa6: {  	_ =	swait.ge [sflag:s4], $0x400  }
0xa7: {  	[sflag:s4] =	ssyncset.done $0x0  }
0xa8: {  	[sflag:s4] =	ssyncadd.s32 $0xFFFFFC00  }
.LBB2_2:
0xa9: {  	_ =	sfence.sel $0x180000  }
0xaa: {  	[bflag:$0x0] =	sbarrier.arrive $0xFFFF  }
0xab: {  	p0 =	sne.s32 s1, $0x0;
	_ =	strace $0x90000047  }
0xac: {  	s0 =	sadd.s32 @!p0 $0x100000, s0;
	[bflag:$0x2] =	sbarrier.arrive $0xFFFF  }
0xad: {  	[sflag:s0] =	ssyncadd.tile.s32 @!p0 $0x1;
	_ =	shalt  }
.Lfunc_end2:
_tile_overlayer_lowered:
.L_overlay_start_2:
0xae: {  	(tag) =	ssettag $0x2  }
0xaf: {  	s0 =	rddreg [dreg:$0x0];
	s2 =	stileid.u32  }
0xb0: {  	s1 =	rddreg [dreg:$0x1];
	p0 =	sne.s32 s2, $0x0  }
0xb1: {  	s3 =	rddreg [dreg:$0x2];
	[bflag:$0x3] =	sbarrier.arrive $0xFFFF;
	s2 =	simm.s32 @!p0 $0x1C01  }
0xb2: {  	[timem:s3], [sflag:s2] =	dma.local @!p0 [hbm:s0], s1  }
0xb3: {  	s0 =	simm.s32 @!p0 $0x1  }
0xb4: {  	_ =	swait.ge @!p0 [sflag:s0], s1  }
0xb5: {  	s1 =	ssub.s32 @!p0 $0x0, s1;
	[sflag:s0] =	ssyncset.done @!p0 $0x0  }
0xb6: {  	[sflag:s0] =	ssyncadd.s32 @!p0 s1  }
0xb7: {  	[bflag:$0x3] =	sbarrier.arrive $0xFFFF  }
0xb8: {  	_ =	shalt  }

</sc_bundles>
